<compile_context>
chip_gen: v7x
topology: tpu7x:2x2x1
jax: 0.10.2.dev20260603
libtpu: 0.0.44.dev20260713+nightly
codegen_flags: <defaults>
</compile_context>

<pallas_src>
import functools

import jax
import jax.numpy as jnp
from jax import lax
from jax.experimental import pallas as pl
from jax.experimental.pallas import tpu as pltpu
from jax.experimental.pallas import tpu_sc as plsc

F32 = jnp.float32

_N = 10000
_E = 320000
_D = 128
_H = 128
_T = 1000
_NMOL = 256
_NB = 1000
_BE = 3200
_NWORK = 32
_EPW = _E // _NWORK
_CS = 80
_NCH = _EPW // _CS
_EPT = _E // 16
_NCH4 = _EPT // _CS


def _stage1a(pos0_ref, pos1_ref, seg_ref, t_ref, tbl_ref, stats_ref, mvec_ref):
    i = pl.program_id(0)
    t = t_ref[...]
    oh_t = (t == lax.broadcasted_iota(jnp.int32, (_NB, _T), 1)).astype(F32)
    mm = jnp.dot(oh_t, tbl_ref[...], preferred_element_type=F32)
    m0 = mm[:, 0:1]
    m1 = mm[:, 1:2]
    mvec_ref[...] = jnp.concatenate([mm, jnp.zeros((_NB, 1), F32)], axis=1)
    q = m0 * pos0_ref[...] + m1 * pos1_ref[...]
    seg = seg_ref[...]
    S = (seg == lax.broadcasted_iota(jnp.int32, (_NB, _NMOL), 1)).astype(F32)
    vals = jnp.concatenate(
        [pos1_ref[...], q, m1, jnp.ones((_NB, 1), F32)], axis=1)
    part = lax.dot_general(S, vals, (((0,), (0,)), ((), ())),
                           preferred_element_type=F32)

    @pl.when(i == 0)
    def _():
        stats_ref[...] = jnp.zeros_like(stats_ref)

    stats_ref[...] += part


def _stage1b(pos0_ref, pos1_ref, h_ref, seg_ref, mvec_ref, stats_ref,
             wa_ref, wb_ref, a_ref, b_ref, xt4_ref, label_ref):
    stats = stats_ref[...]
    cnt = jnp.maximum(stats[:, 7:8], 1.0)
    mean1 = stats[:, 0:3] / cnt
    meanxt = (stats[:, 3:6] - stats[:, 6:7] * mean1) / cnt
    meanmat = jnp.concatenate([mean1, meanxt], axis=1)
    seg = seg_ref[...]
    S = (seg == lax.broadcasted_iota(jnp.int32, (_NB, _NMOL), 1)).astype(F32)
    pm = jnp.dot(S, meanmat, preferred_element_type=F32)
    mv = mvec_ref[...]
    m0 = mv[:, 0:1]
    m1 = mv[:, 1:2]
    std = mv[:, 2:3]
    pos0 = pos0_ref[...]
    q = m0 * pos0 + m1 * pos1_ref[...]
    xt = q - m1 * pm[:, 0:3] - pm[:, 3:6]
    lbl = (xt - pos0) / std
    zpad = jnp.zeros((_NB, 1), F32)
    xt4_ref[...] = jnp.concatenate([xt, zpad], axis=1)
    label_ref[...] = jnp.concatenate([lbl, zpad], axis=1)
    hv = h_ref[...]
    a_ref[...] = jnp.dot(hv, wa_ref[...], preferred_element_type=F32)
    b_ref[...] = jnp.dot(hv, wb_ref[...], preferred_element_type=F32)


def _stage3(ga_ref, gb_ref, relr_ref, wl_ref, bm1_ref, wm2_ref, bm2_ref,
            wx_ref, o1_ref, ox_ref):
    pre = ga_ref[...] + gb_ref[...]
    relt = relr_ref[...]
    sel3 = (lax.broadcasted_iota(jnp.int32, (8, 1), 0) < 3).astype(F32)
    d2 = lax.dot_general(relt * relt, sel3, (((0,), (0,)), ((), ())),
                         preferred_element_type=F32)
    z1 = pre + d2 * wl_ref[...] + bm1_ref[...]
    m1 = z1 * jax.nn.sigmoid(z1)
    z2 = jnp.dot(m1, wm2_ref[...], preferred_element_type=F32) + bm2_ref[...]
    m = z2 * jax.nn.sigmoid(z2)
    cwt = jnp.tanh(lax.dot_general(wx_ref[...], m, (((1,), (1,)), ((), ())),
                                   preferred_element_type=F32))
    o1_ref[...] = m
    ox_ref[...] = relt * cwt


def _stage5(agm0_ref, agm1_ref, agx0_ref, agx1_ref, h_ref, label_ref,
            wht_ref, whb_ref, bh_ref, out_ref):
    aggm = agm0_ref[...] + agm1_ref[...]
    aggx = (agx0_ref[...] + agx1_ref[...])[:, 0:3]
    hv = h_ref[...]
    z = (jnp.dot(hv, wht_ref[...], preferred_element_type=F32)
         + jnp.dot(aggm, whb_ref[...], preferred_element_type=F32)
         + bh_ref[...])
    ho = hv + z * jax.nn.sigmoid(z)
    diff = aggx - label_ref[...][:, 0:3]
    loss = (jnp.sum(diff * diff) / (_N * 3)
            + 1e-4 * jnp.sum(ho * ho) / (_N * _D))
    out_ref[...] = loss.reshape(1, 1)


def _sc_gather(dst_hbm, src_hbm, a_hbm, b_hbm, xt4_hbm,
               ga_hbm, gb_hbm, relr_hbm,
               xt4v, idxd, idxs, bufa, bufb, bufr, sema, semb,
               semi1, semi2, semw1, semw2, semw3):
    c = lax.axis_index("c")
    s = lax.axis_index("s")
    wid = s * 2 + c
    base = wid * _EPW
    pltpu.sync_copy(xt4_hbm, xt4v)
    lane = lax.iota(jnp.int32, 16)
    col = jnp.minimum(lane, 3)
    mask4 = lane < 4
    z16 = jnp.zeros((16,), F32)
    for r in range(8):
        for j in range(_CS // 16):
            bufr[r, pl.ds(j * 16, 16)] = z16

    def body(k, carry):
        off = base + k * _CS
        ci = pltpu.async_copy(dst_hbm.at[pl.ds(off, _CS)], idxd, semi1)
        cj = pltpu.async_copy(src_hbm.at[pl.ds(off, _CS)], idxs, semi2)
        ci.wait()
        cj.wait()
        da = pltpu.async_copy(a_hbm.at[idxd], bufa, sema)
        db = pltpu.async_copy(b_hbm.at[idxs], bufb, semb)

        def ebody(r, cc):
            for g in range(8):
                e = r * 8 + g
                ev = jnp.zeros((16,), jnp.int32) + e
                dn = plsc.load_gather(idxd, [ev])
                sn = plsc.load_gather(idxs, [ev])
                xd = plsc.load_gather(xt4v, [dn, col])
                xs = plsc.load_gather(xt4v, [sn, col])
                plsc.store_scatter(bufr, [col, ev], xd - xs, mask=mask4)
            return cc

        lax.fori_loop(0, _CS // 8, ebody, 0)
        da.wait()
        db.wait()
        w1 = pltpu.async_copy(bufa, ga_hbm.at[pl.ds(off, _CS)], semw1)
        w2 = pltpu.async_copy(bufb, gb_hbm.at[pl.ds(off, _CS)], semw2)
        w3 = pltpu.async_copy(bufr, relr_hbm.at[:, pl.ds(off, _CS)], semw3)
        w1.wait()
        w2.wait()
        w3.wait()
        return carry

    lax.fori_loop(0, _NCH, body, 0)


def _sc_scatter(o1_hbm, ox_hbm, dst_hbm, zm_hbm, zx_hbm,
                agm0_hbm, agm1_hbm, agx0_hbm, agx1_hbm,
                accm, accx, idxv, bufm, bufxt, bufx,
                sem1, sem2, sem3, sem4, sem5):
    c = lax.axis_index("c")
    s = lax.axis_index("s")
    lane = lax.iota(jnp.int32, 16)
    col = jnp.minimum(lane, 3)
    rpw = _N // 16
    pltpu.sync_copy(zm_hbm.at[pl.ds(s * rpw, rpw)],
                    accm.at[pl.ds(s * rpw, rpw)])
    pltpu.sync_copy(zx_hbm.at[pl.ds(s * rpw, rpw)],
                    accx.at[pl.ds(s * rpw, rpw)])
    plsc.subcore_barrier()
    base = (c * 16 + s) * _EPW

    def body(k, carry):
        off = base + k * _CS
        c1 = pltpu.async_copy(dst_hbm.at[pl.ds(off, _CS)], idxv, sem1)
        c2 = pltpu.async_copy(o1_hbm.at[pl.ds(off, _CS)], bufm, sem2)
        c3 = pltpu.async_copy(ox_hbm.at[:, pl.ds(off, _CS)], bufxt, sem3)
        c3.wait()

        def ebody(r, cc):
            for g in range(8):
                e = r * 8 + g
                ev = jnp.zeros((16,), jnp.int32) + e
                bufx[e, pl.ds(0, 16)] = plsc.load_gather(bufxt, [col, ev])
            return cc

        lax.fori_loop(0, _CS // 8, ebody, 0)
        c1.wait()
        c2.wait()
        a1 = pltpu.async_copy(bufm, accm.at[idxv], sem4, add=True)
        a2 = pltpu.async_copy(bufx, accx.at[idxv], sem5, add=True)
        a1.wait()
        a2.wait()
        return carry

    lax.fori_loop(0, _NCH, body, 0)
    plsc.subcore_barrier()

    @pl.when(c == 0)
    def _():
        pltpu.sync_copy(accm.at[pl.ds(s * rpw, rpw)],
                        agm0_hbm.at[pl.ds(s * rpw, rpw)])
        pltpu.sync_copy(accx.at[pl.ds(s * rpw, rpw)],
                        agx0_hbm.at[pl.ds(s * rpw, rpw)])

    @pl.when(c == 1)
    def _():
        pltpu.sync_copy(accm.at[pl.ds(s * rpw, rpw)],
                        agm1_hbm.at[pl.ds(s * rpw, rpw)])
        pltpu.sync_copy(accx.at[pl.ds(s * rpw, rpw)],
                        agx1_hbm.at[pl.ds(s * rpw, rpw)])


def kernel(pos0, pos1, h, Wm1, bm1, Wm2, bm2, Wx, Wh, bh, edge_index,
           seg_ids, t_step):
    betas = jnp.linspace(1e-5, 1e-2, _T, dtype=F32)
    var_fwd = jnp.cumsum(betas)
    var_bwd = jnp.flip(jnp.cumsum(jnp.flip(betas)))
    std_fwd = jnp.sqrt(var_fwd)
    denom = var_fwd + var_bwd
    tbl = jnp.stack([var_bwd / denom, var_fwd / denom, std_fwd], axis=1)

    seg2d = seg_ids.reshape(_N, 1)
    t2d = t_step.reshape(_N, 1)
    srci = edge_index[0]
    dsti = edge_index[1]
    nblk = _N // _NB

    stats, mvec = pl.pallas_call(
        _stage1a,
        grid=(nblk,),
        in_specs=[
            pl.BlockSpec((_NB, 3), lambda i: (i, 0)),
            pl.BlockSpec((_NB, 3), lambda i: (i, 0)),
            pl.BlockSpec((_NB, 1), lambda i: (i, 0)),
            pl.BlockSpec((_NB, 1), lambda i: (i, 0)),
            pl.BlockSpec((_T, 3), lambda i: (0, 0)),
        ],
        out_specs=[
            pl.BlockSpec((_NMOL, 8), lambda i: (0, 0)),
            pl.BlockSpec((_NB, 4), lambda i: (i, 0)),
        ],
        out_shape=[
            jax.ShapeDtypeStruct((_NMOL, 8), F32),
            jax.ShapeDtypeStruct((_N, 4), F32),
        ],
    )(pos0, pos1, seg2d, t2d, tbl)

    A, B, xt4, label4 = pl.pallas_call(
        _stage1b,
        grid=(nblk,),
        in_specs=[
            pl.BlockSpec((_NB, 3), lambda i: (i, 0)),
            pl.BlockSpec((_NB, 3), lambda i: (i, 0)),
            pl.BlockSpec((_NB, _D), lambda i: (i, 0)),
            pl.BlockSpec((_NB, 1), lambda i: (i, 0)),
            pl.BlockSpec((_NB, 4), lambda i: (i, 0)),
            pl.BlockSpec((_NMOL, 8), lambda i: (0, 0)),
            pl.BlockSpec((_D, _H), lambda i: (0, 0)),
            pl.BlockSpec((_D, _H), lambda i: (0, 0)),
        ],
        out_specs=[
            pl.BlockSpec((_NB, _H), lambda i: (i, 0)),
            pl.BlockSpec((_NB, _H), lambda i: (i, 0)),
            pl.BlockSpec((_NB, 4), lambda i: (i, 0)),
            pl.BlockSpec((_NB, 4), lambda i: (i, 0)),
        ],
        out_shape=[
            jax.ShapeDtypeStruct((_N, _H), F32),
            jax.ShapeDtypeStruct((_N, _H), F32),
            jax.ShapeDtypeStruct((_N, 4), F32),
            jax.ShapeDtypeStruct((_N, 4), F32),
        ],
    )(pos0, pos1, h, seg2d, mvec, stats, Wm1[:_D], Wm1[_D:2 * _D])

    mesh = plsc.VectorSubcoreMesh(core_axis_name="c", subcore_axis_name="s")
    gather = functools.partial(
        pl.kernel,
        out_type=[
            jax.ShapeDtypeStruct((_E, _H), F32),
            jax.ShapeDtypeStruct((_E, _H), F32),
            jax.ShapeDtypeStruct((8, _E), F32),
        ],
        mesh=mesh,
        compiler_params=pltpu.CompilerParams(use_tc_tiling_on_sc=False, needs_layout_passes=False),
        scratch_types=[
            pltpu.VMEM((_N, 4), F32),
            pltpu.VMEM((_CS,), jnp.int32),
            pltpu.VMEM((_CS,), jnp.int32),
            pltpu.VMEM((_CS, _H), F32),
            pltpu.VMEM((_CS, _H), F32),
            pltpu.VMEM((8, _CS), F32),
            pltpu.SemaphoreType.DMA,
            pltpu.SemaphoreType.DMA,
            pltpu.SemaphoreType.DMA,
            pltpu.SemaphoreType.DMA,
            pltpu.SemaphoreType.DMA,
            pltpu.SemaphoreType.DMA,
            pltpu.SemaphoreType.DMA,
        ],
    )(_sc_gather)
    GA, GB, RELR = gather(dsti, srci, A, B, xt4)

    geb = _E // _BE
    O1, OX = pl.pallas_call(
        _stage3,
        grid=(geb,),
        in_specs=[
            pl.BlockSpec((_BE, _H), lambda i: (i, 0)),
            pl.BlockSpec((_BE, _H), lambda i: (i, 0)),
            pl.BlockSpec((8, _BE), lambda i: (0, i)),
            pl.BlockSpec((1, _H), lambda i: (0, 0)),
            pl.BlockSpec((1, _H), lambda i: (0, 0)),
            pl.BlockSpec((_H, _H), lambda i: (0, 0)),
            pl.BlockSpec((1, _H), lambda i: (0, 0)),
            pl.BlockSpec((1, _H), lambda i: (0, 0)),
        ],
        out_specs=[
            pl.BlockSpec((_BE, _H), lambda i: (i, 0)),
            pl.BlockSpec((8, _BE), lambda i: (0, i)),
        ],
        out_shape=[
            jax.ShapeDtypeStruct((_E, _H), F32),
            jax.ShapeDtypeStruct((8, _E), F32),
        ],
    )(GA, GB, RELR, Wm1[2 * _D].reshape(1, _H), bm1.reshape(1, _H), Wm2,
      bm2.reshape(1, _H), Wx.reshape(1, _H))

    mesh2 = plsc.VectorSubcoreMesh(core_axis_name="c", subcore_axis_name="s")
    scatter = functools.partial(
        pl.kernel,
        out_type=[
            jax.ShapeDtypeStruct((_N, _H), F32),
            jax.ShapeDtypeStruct((_N, _H), F32),
            jax.ShapeDtypeStruct((_N, 16), F32),
            jax.ShapeDtypeStruct((_N, 16), F32),
        ],
        mesh=mesh2,
        compiler_params=pltpu.CompilerParams(use_tc_tiling_on_sc=False, needs_layout_passes=False),
        scratch_types=[
            pltpu.VMEM_SHARED((_N, _H), F32),
            pltpu.VMEM_SHARED((_N, 16), F32),
            pltpu.VMEM((_CS,), jnp.int32),
            pltpu.VMEM((_CS, _H), F32),
            pltpu.VMEM((8, _CS), F32),
            pltpu.VMEM((_CS, 16), F32),
            pltpu.SemaphoreType.DMA,
            pltpu.SemaphoreType.DMA,
            pltpu.SemaphoreType.DMA,
            pltpu.SemaphoreType.DMA,
            pltpu.SemaphoreType.DMA,
        ],
    )(_sc_scatter)
    AGM0, AGM1, AGX0, AGX1 = scatter(O1, OX, dsti, jnp.zeros((_N, _H), F32),
                                     jnp.zeros((_N, 16), F32))

    loss2d = pl.pallas_call(
        _stage5,
        grid=(1,),
        in_specs=[
            pl.BlockSpec((_N, _H), lambda i: (0, 0)),
            pl.BlockSpec((_N, _H), lambda i: (0, 0)),
            pl.BlockSpec((_N, 16), lambda i: (0, 0)),
            pl.BlockSpec((_N, 16), lambda i: (0, 0)),
            pl.BlockSpec((_N, _D), lambda i: (0, 0)),
            pl.BlockSpec((_N, 4), lambda i: (0, 0)),
            pl.BlockSpec((_D, _D), lambda i: (0, 0)),
            pl.BlockSpec((_D, _D), lambda i: (0, 0)),
            pl.BlockSpec((1, _D), lambda i: (0, 0)),
        ],
        out_specs=pl.BlockSpec((1, 1), lambda i: (0, 0)),
        out_shape=jax.ShapeDtypeStruct((1, 1), F32),
    )(AGM0, AGM1, AGX0, AGX1, h, label4, Wh[:_D], Wh[_D:], bh.reshape(1, _D))

    return loss2d[0, 0]

# --- scband reference (transcript-rebuilt; emitter-appended) ---
"""Pipeline reference for scband-en-sb-43696997270071 (READ-ONLY COPY).

The authoritative reference and input builder live on the scoring server;
editing this copy changes nothing except your own understanding.
"""

import jax, jax.numpy as jnp
import numpy as np

N = 10000
E = 320000
D = 128
H = 128
T = 1000
NMOL = 256


def _schedule():
    betas = jnp.linspace(1e-5, 1e-2, T, dtype=jnp.float32)
    var_fwd = jnp.cumsum(betas)
    var_bwd = jnp.flip(jnp.cumsum(jnp.flip(betas)))
    std_fwd = jnp.sqrt(var_fwd)
    denom = var_fwd + var_bwd
    mu_x0 = var_bwd / denom
    mu_x1 = var_fwd / denom
    return mu_x0, mu_x1, std_fwd


def _remove_mean(x, seg):
    ones = jnp.ones((x.shape[0], 1), dtype=x.dtype)
    counts = jax.ops.segment_sum(ones, seg, num_segments=NMOL)
    sums = jax.ops.segment_sum(x, seg, num_segments=NMOL)
    mean = sums / jnp.clip(counts, 1.0, None)
    return x - mean[seg]


def setup_inputs(seed: int = 0):
    key = jax.random.key(seed)
    ks = jax.random.split(key, 16)
    pos0 = jax.random.normal(ks[0], (N, 3), dtype=jnp.float32)
    pos1 = jax.random.normal(ks[1], (N, 3), dtype=jnp.float32)
    h = jax.random.normal(ks[2], (N, D), dtype=jnp.float32)
    edge_index = jax.random.randint(ks[3], (2, E), 0, N, dtype=jnp.int32)
    seg_ids = jnp.sort(jax.random.randint(ks[4], (N,), 0, NMOL, dtype=jnp.int32))
    t_step = jax.random.randint(ks[5], (N,), 0, T, dtype=jnp.int32)
    Wm1 = jax.random.normal(ks[6], (2 * D + 1, H), dtype=jnp.float32) / np.sqrt(2 * D + 1)
    bm1 = jnp.zeros((H,), dtype=jnp.float32)
    Wm2 = jax.random.normal(ks[7], (H, H), dtype=jnp.float32) / np.sqrt(H)
    bm2 = jnp.zeros((H,), dtype=jnp.float32)
    Wx = jax.random.normal(ks[8], (H, 1), dtype=jnp.float32) / np.sqrt(H)
    Wh = jax.random.normal(ks[9], (D + H, D), dtype=jnp.float32) / np.sqrt(D + H)
    bh = jnp.zeros((D,), dtype=jnp.float32)
    return {"pos0": pos0, "pos1": pos1, "h": h, "Wm1": Wm1, "bm1": bm1, "Wm2": Wm2, "bm2": bm2, "Wx": Wx, "Wh": Wh, "bh": bh, "edge_index": edge_index, "seg_ids": seg_ids, "t_step": t_step}


def reference(pos0, pos1, h, Wm1, bm1, Wm2, bm2, Wx, Wh, bh, edge_index, seg_ids, t_step):
    mu_x0, mu_x1, std_fwd = _schedule()
    # q_sample (ot_ode=True): xt = mu_x0[t]*x0 + mu_x1[t]*x1, mean removed per molecule
    x1 = _remove_mean(pos1, seg_ids)
    m0 = mu_x0[t_step][:, None]
    m1 = mu_x1[t_step][:, None]
    xt = m0 * pos0 + m1 * x1
    xt = _remove_mean(xt, seg_ids)
    # EGNN dynamics message passing step
    src = edge_index[0]
    dst = edge_index[1]
    rel = xt[dst] - xt[src]
    d2 = jnp.sum(rel * rel, axis=-1, keepdims=True)
    mfeat = jnp.concatenate([h[dst], h[src], d2], axis=-1)
    m = jax.nn.silu(mfeat @ Wm1 + bm1)
    m = jax.nn.silu(m @ Wm2 + bm2)
    coord_w = jnp.tanh(m @ Wx)
    agg_x = jax.ops.segment_sum(rel * coord_w, dst, num_segments=N)
    agg_m = jax.ops.segment_sum(m, dst, num_segments=N)
    h_out = h + jax.nn.silu(jnp.concatenate([h, agg_m], axis=-1) @ Wh + bh)
    # SB label (eq 12) and l2 loss
    net_out = agg_x
    std_f = std_fwd[t_step][:, None]
    label = (xt - pos0) / std_f
    loss = jnp.mean((net_out - label) ** 2) + 1e-4 * jnp.mean(h_out ** 2)
    return loss

if __name__ == "__main__":
    import jax
    _d = setup_inputs()
    print(jax.jit(kernel)(*tuple(_d.values())))

</pallas_src>

<mosaic_0001>
#map = affine_map<(d0, d1) -> (0, 0)>
#map1 = affine_map<(d0, d1) -> (0)>
module attributes {stable_mosaic.version = 14 : i64} {
  func.func @_sc_scatter(%arg0: i32, %arg1: i32, %arg2: memref<320000x128xf32, #tpu.memory_space<hbm>>, %arg3: memref<8x320000xf32, #tpu.memory_space<hbm>>, %arg4: memref<320000xi32, #tpu.memory_space<hbm>>, %arg5: memref<10000x128xf32, #tpu.memory_space<hbm>>, %arg6: memref<10000x16xf32, #tpu.memory_space<hbm>>, %arg7: memref<10000x128xf32, #tpu.memory_space<hbm>>, %arg8: memref<10000x128xf32, #tpu.memory_space<hbm>>, %arg9: memref<10000x16xf32, #tpu.memory_space<hbm>>, %arg10: memref<10000x16xf32, #tpu.memory_space<hbm>>, %arg11: memref<10000x128xf32, #tpu.memory_space<vmem_shared>>, %arg12: memref<10000x16xf32, #tpu.memory_space<vmem_shared>>, %arg13: memref<80xi32, #tpu.memory_space<vmem>>, %arg14: memref<80x128xf32, #tpu.memory_space<vmem>>, %arg15: memref<8x80xf32, #tpu.memory_space<vmem>>, %arg16: memref<80x16xf32, #tpu.memory_space<vmem>>, %arg17: memref<!tpu.dma_semaphore, #tpu.memory_space<semaphore_mem>>, %arg18: memref<!tpu.dma_semaphore, #tpu.memory_space<semaphore_mem>>, %arg19: memref<!tpu.dma_semaphore, #tpu.memory_space<semaphore_mem>>, %arg20: memref<!tpu.dma_semaphore, #tpu.memory_space<semaphore_mem>>, %arg21: memref<!tpu.dma_semaphore, #tpu.memory_space<semaphore_mem>>) attributes {dimension_semantics = [#tpu.dimension_semantics<core_parallel>, #tpu.dimension_semantics<subcore_parallel>], iteration_bounds = array<i64: 2, 16>, scalar_prefetch = 0 : i64, scratch_operands = 11 : i64, tpu.core_type = #tpu.core_type<sc_vector_subcore>, window_params = [{transform_indices = #map}, {transform_indices = #map}, {transform_indices = #map1}, {transform_indices = #map}, {transform_indices = #map}, {transform_indices = #map}, {transform_indices = #map}, {transform_indices = #map}, {transform_indices = #map}]} {
    %iota3A = tpu.iota {dimensions = array<i32: 0>} : vector<16xi32>
    %min3A = arith.constant 3 : i32
    %min3A_0 = vector.broadcast %min3A : i32 to vector<16xi32>
    %min3A_1 = arith.minsi %iota3A, %min3A_0 : vector<16xi32>
    %mul3A = arith.constant 625 : i32
    %mul3A_2 = arith.muli %arg1, %mul3A : i32
    %mul3A_3 = arith.constant 625 : i32
    %mul3A_4 = arith.muli %arg1, %mul3A_3 : i32
    "tpu.region"() ({
      %run_scoped3A = tpu.sem_alloc : memref<!tpu.dma_semaphore, #tpu.memory_space<semaphore_mem>>
      %dma_start3A = arith.constant 0 : i32
      %dma_start3A_26 = tpu.memref_slice %arg11[%mul3A_4, %dma_start3A] : memref<10000x128xf32, #tpu.memory_space<vmem_shared>> -> memref<625x128xf32, #tpu.memory_space<vmem_shared>>
      %dma_start3A_27 = arith.constant 0 : i32
      %dma_start3A_28 = tpu.memref_slice %arg5[%mul3A_2, %dma_start3A_27] : memref<10000x128xf32, #tpu.memory_space<hbm>> -> memref<625x128xf32, #tpu.memory_space<hbm>>
      tpu.enqueue_dma source(%dma_start3A_28 : memref<625x128xf32, #tpu.memory_space<hbm>>) target(%dma_start3A_26 : memref<625x128xf32, #tpu.memory_space<vmem_shared>>) target_semaphore(%run_scoped3A : memref<!tpu.dma_semaphore, #tpu.memory_space<semaphore_mem>>)
      %dma_wait3A = arith.constant 0 : i32
      %dma_wait3A_29 = tpu.memref_slice %arg11[%mul3A_4, %dma_wait3A] : memref<10000x128xf32, #tpu.memory_space<vmem_shared>> -> memref<625x128xf32, #tpu.memory_space<vmem_shared>>
      %dma_wait3A_30 = arith.constant 0 : i32
      %dma_wait3A_31 = tpu.memref_slice %arg5[%mul3A_2, %dma_wait3A_30] : memref<10000x128xf32, #tpu.memory_space<hbm>> -> memref<625x128xf32, #tpu.memory_space<hbm>>
      tpu.wait_dma2 semaphore(%run_scoped3A : memref<!tpu.dma_semaphore, #tpu.memory_space<semaphore_mem>>) src(%dma_wait3A_31 : memref<625x128xf32, #tpu.memory_space<hbm>>) dst(%dma_wait3A_29 : memref<625x128xf32, #tpu.memory_space<vmem_shared>>)
      tpu.yield
    }) : () -> ()
    %mul3A_5 = arith.constant 625 : i32
    %mul3A_6 = arith.muli %arg1, %mul3A_5 : i32
    %mul3A_7 = arith.constant 625 : i32
    %mul3A_8 = arith.muli %arg1, %mul3A_7 : i32
    "tpu.region"() ({
      %run_scoped3A = tpu.sem_alloc : memref<!tpu.dma_semaphore, #tpu.memory_space<semaphore_mem>>
      %dma_start3A = arith.constant 0 : i32
      %dma_start3A_26 = tpu.memref_slice %arg12[%mul3A_8, %dma_start3A] : memref<10000x16xf32, #tpu.memory_space<vmem_shared>> -> memref<625x16xf32, #tpu.memory_space<vmem_shared>>
      %dma_start3A_27 = arith.constant 0 : i32
      %dma_start3A_28 = tpu.memref_slice %arg6[%mul3A_6, %dma_start3A_27] : memref<10000x16xf32, #tpu.memory_space<hbm>> -> memref<625x16xf32, #tpu.memory_space<hbm>>
      tpu.enqueue_dma source(%dma_start3A_28 : memref<625x16xf32, #tpu.memory_space<hbm>>) target(%dma_start3A_26 : memref<625x16xf32, #tpu.memory_space<vmem_shared>>) target_semaphore(%run_scoped3A : memref<!tpu.dma_semaphore, #tpu.memory_space<semaphore_mem>>)
      %dma_wait3A = arith.constant 0 : i32
      %dma_wait3A_29 = tpu.memref_slice %arg12[%mul3A_8, %dma_wait3A] : memref<10000x16xf32, #tpu.memory_space<vmem_shared>> -> memref<625x16xf32, #tpu.memory_space<vmem_shared>>
      %dma_wait3A_30 = arith.constant 0 : i32
      %dma_wait3A_31 = tpu.memref_slice %arg6[%mul3A_6, %dma_wait3A_30] : memref<10000x16xf32, #tpu.memory_space<hbm>> -> memref<625x16xf32, #tpu.memory_space<hbm>>
      tpu.wait_dma2 semaphore(%run_scoped3A : memref<!tpu.dma_semaphore, #tpu.memory_space<semaphore_mem>>) src(%dma_wait3A_31 : memref<625x16xf32, #tpu.memory_space<hbm>>) dst(%dma_wait3A_29 : memref<625x16xf32, #tpu.memory_space<vmem_shared>>)
      tpu.yield
    }) : () -> ()
    %barrier3A = arith.constant 0 : index
    tpu.barrier barrier_id(%barrier3A)
    %mul3A_9 = arith.constant 16 : i32
    %mul3A_10 = arith.muli %arg0, %mul3A_9 : i32
    %add3A = arith.addi %mul3A_10, %arg1 : i32
    %mul3A_11 = arith.constant 10000 : i32
    %mul3A_12 = arith.muli %add3A, %mul3A_11 : i32
    %scan3A = arith.constant 0 : i32
    %scan3A_13 = arith.constant 0 : i32
    %scan3A_14 = arith.constant 125 : i32
    %scan3A_15 = arith.addi %scan3A_13, %scan3A_14 : i32
    %scan3A_16 = arith.constant 1 : i32
    scf.for %scan3A_26 = %scan3A_13 to %scan3A_15 step %scan3A_16  : i32 {
      %mul3A_27 = arith.constant 80 : i32
      %mul3A_28 = arith.muli %scan3A_26, %mul3A_27 : i32
      %add3A_29 = arith.addi %mul3A_12, %mul3A_28 : i32
      %dma_start3A = tpu.memref_slice %arg4[%add3A_29] : memref<320000xi32, #tpu.memory_space<hbm>> -> memref<80xi32, #tpu.memory_space<hbm>>
      %dma_start3A_30 = tpu.memref_slice %arg4[%add3A_29] : memref<320000xi32, #tpu.memory_space<hbm>> -> memref<80xi32, #tpu.memory_space<hbm>>
      tpu.enqueue_dma source(%dma_start3A_30 : memref<80xi32, #tpu.memory_space<hbm>>) target(%arg13 : memref<80xi32, #tpu.memory_space<vmem>>) target_semaphore(%arg17 : memref<!tpu.dma_semaphore, #tpu.memory_space<semaphore_mem>>)
      %dma_start3A_31 = arith.constant 0 : i32
      %dma_start3A_32 = tpu.memref_slice %arg2[%add3A_29, %dma_start3A_31] : memref<320000x128xf32, #tpu.memory_space<hbm>> -> memref<80x128xf32, #tpu.memory_space<hbm>>
      %dma_start3A_33 = arith.constant 0 : i32
      %dma_start3A_34 = tpu.memref_slice %arg2[%add3A_29, %dma_start3A_33] : memref<320000x128xf32, #tpu.memory_space<hbm>> -> memref<80x128xf32, #tpu.memory_space<hbm>>
      tpu.enqueue_dma source(%dma_start3A_34 : memref<80x128xf32, #tpu.memory_space<hbm>>) target(%arg14 : memref<80x128xf32, #tpu.memory_space<vmem>>) target_semaphore(%arg18 : memref<!tpu.dma_semaphore, #tpu.memory_space<semaphore_mem>>)
      %dma_start3A_35 = arith.constant 0 : i32
      %dma_start3A_36 = tpu.memref_slice %arg3[%dma_start3A_35, %add3A_29] : memref<8x320000xf32, #tpu.memory_space<hbm>> -> memref<8x80xf32, #tpu.memory_space<hbm>>
      %dma_start3A_37 = arith.constant 0 : i32
      %dma_start3A_38 = tpu.memref_slice %arg3[%dma_start3A_37, %add3A_29] : memref<8x320000xf32, #tpu.memory_space<hbm>> -> memref<8x80xf32, #tpu.memory_space<hbm>>
      tpu.enqueue_dma source(%dma_start3A_38 : memref<8x80xf32, #tpu.memory_space<hbm>>) target(%arg15 : memref<8x80xf32, #tpu.memory_space<vmem>>) target_semaphore(%arg19 : memref<!tpu.dma_semaphore, #tpu.memory_space<semaphore_mem>>)
      %dma_wait3A = arith.constant 0 : i32
      %dma_wait3A_39 = tpu.memref_slice %arg3[%dma_wait3A, %add3A_29] : memref<8x320000xf32, #tpu.memory_space<hbm>> -> memref<8x80xf32, #tpu.memory_space<hbm>>
      %dma_wait3A_40 = arith.constant 0 : i32
      %dma_wait3A_41 = tpu.memref_slice %arg3[%dma_wait3A_40, %add3A_29] : memref<8x320000xf32, #tpu.memory_space<hbm>> -> memref<8x80xf32, #tpu.memory_space<hbm>>
      tpu.wait_dma2 semaphore(%arg19 : memref<!tpu.dma_semaphore, #tpu.memory_space<semaphore_mem>>) src(%dma_wait3A_41 : memref<8x80xf32, #tpu.memory_space<hbm>>) dst(%arg15 : memref<8x80xf32, #tpu.memory_space<vmem>>)
      %scan3A_42 = arith.constant 0 : i32
      %scan3A_43 = arith.constant 0 : i32
      %scan3A_44 = arith.constant 10 : i32
      %scan3A_45 = arith.addi %scan3A_43, %scan3A_44 : i32
      %scan3A_46 = arith.constant 1 : i32
      scf.for %scan3A_66 = %scan3A_43 to %scan3A_45 step %scan3A_46  : i32 {
        %mul3A_67 = arith.constant 8 : i32
        %mul3A_68 = arith.muli %scan3A_66, %mul3A_67 : i32
        %add3A_69 = arith.constant 0 : i32
        %add3A_70 = arith.addi %mul3A_68, %add3A_69 : i32
        %broadcast_in_dim3A = arith.constant 0 : i32
        %broadcast_in_dim3A_71 = vector.broadcast %broadcast_in_dim3A : i32 to vector<16xi32>
        %add3A_72 = vector.broadcast %add3A_70 : i32 to vector<16xi32>
        %add3A_73 = arith.addi %broadcast_in_dim3A_71, %add3A_72 : vector<16xi32>
        %gather3A = tpu.vector_load_idx %arg15[%min3A_1, %add3A_73] : memref<8x80xf32, #tpu.memory_space<vmem>>[vector<16xi32>, vector<16xi32>], vector<16xf32>,
        %swap3A = arith.index_cast %add3A_70 : i32 to index
        %swap3A_74 = arith.constant 0 : index
        %swap3A_75 = tpu.vector_load %arg16[%swap3A, %swap3A_74] {strides = array<i32>} : memref<80x16xf32, #tpu.memory_space<vmem>>, vector<16xf32>,
        tpu.vector_store %arg16[%swap3A, %swap3A_74], %gather3A {strides = array<i32>} : memref<80x16xf32, #tpu.memory_space<vmem>>, vector<16xf32>,
        %mul3A_76 = arith.constant 8 : i32
        %mul3A_77 = arith.muli %scan3A_66, %mul3A_76 : i32
        %add3A_78 = arith.constant 1 : i32
        %add3A_79 = arith.addi %mul3A_77, %add3A_78 : i32
        %broadcast_in_dim3A_80 = arith.constant 0 : i32
        %broadcast_in_dim3A_81 = vector.broadcast %broadcast_in_dim3A_80 : i32 to vector<16xi32>
        %add3A_82 = vector.broadcast %add3A_79 : i32 to vector<16xi32>
        %add3A_83 = arith.addi %broadcast_in_dim3A_81, %add3A_82 : vector<16xi32>
        %gather3A_84 = tpu.vector_load_idx %arg15[%min3A_1, %add3A_83] : memref<8x80xf32, #tpu.memory_space<vmem>>[vector<16xi32>, vector<16xi32>], vector<16xf32>,
        %swap3A_85 = arith.index_cast %add3A_79 : i32 to index
        %swap3A_86 = arith.constant 0 : index
        %swap3A_87 = tpu.vector_load %arg16[%swap3A_85, %swap3A_86] {strides = array<i32>} : memref<80x16xf32, #tpu.memory_space<vmem>>, vector<16xf32>,
        tpu.vector_store %arg16[%swap3A_85, %swap3A_86], %gather3A_84 {strides = array<i32>} : memref<80x16xf32, #tpu.memory_space<vmem>>, vector<16xf32>,
        %mul3A_88 = arith.constant 8 : i32
        %mul3A_89 = arith.muli %scan3A_66, %mul3A_88 : i32
        %add3A_90 = arith.constant 2 : i32
        %add3A_91 = arith.addi %mul3A_89, %add3A_90 : i32
        %broadcast_in_dim3A_92 = arith.constant 0 : i32
        %broadcast_in_dim3A_93 = vector.broadcast %broadcast_in_dim3A_92 : i32 to vector<16xi32>
        %add3A_94 = vector.broadcast %add3A_91 : i32 to vector<16xi32>
        %add3A_95 = arith.addi %broadcast_in_dim3A_93, %add3A_94 : vector<16xi32>
        %gather3A_96 = tpu.vector_load_idx %arg15[%min3A_1, %add3A_95] : memref<8x80xf32, #tpu.memory_space<vmem>>[vector<16xi32>, vector<16xi32>], vector<16xf32>,
        %swap3A_97 = arith.index_cast %add3A_91 : i32 to index
        %swap3A_98 = arith.constant 0 : index
        %swap3A_99 = tpu.vector_load %arg16[%swap3A_97, %swap3A_98] {strides = array<i32>} : memref<80x16xf32, #tpu.memory_space<vmem>>, vector<16xf32>,
        tpu.vector_store %arg16[%swap3A_97, %swap3A_98], %gather3A_96 {strides = array<i32>} : memref<80x16xf32, #tpu.memory_space<vmem>>, vector<16xf32>,
        %mul3A_100 = arith.constant 8 : i32
        %mul3A_101 = arith.muli %scan3A_66, %mul3A_100 : i32
        %add3A_102 = arith.constant 3 : i32
        %add3A_103 = arith.addi %mul3A_101, %add3A_102 : i32
        %broadcast_in_dim3A_104 = arith.constant 0 : i32
        %broadcast_in_dim3A_105 = vector.broadcast %broadcast_in_dim3A_104 : i32 to vector<16xi32>
        %add3A_106 = vector.broadcast %add3A_103 : i32 to vector<16xi32>
        %add3A_107 = arith.addi %broadcast_in_dim3A_105, %add3A_106 : vector<16xi32>
        %gather3A_108 = tpu.vector_load_idx %arg15[%min3A_1, %add3A_107] : memref<8x80xf32, #tpu.memory_space<vmem>>[vector<16xi32>, vector<16xi32>], vector<16xf32>,
        %swap3A_109 = arith.index_cast %add3A_103 : i32 to index
        %swap3A_110 = arith.constant 0 : index
        %swap3A_111 = tpu.vector_load %arg16[%swap3A_109, %swap3A_110] {strides = array<i32>} : memref<80x16xf32, #tpu.memory_space<vmem>>, vector<16xf32>,
        tpu.vector_store %arg16[%swap3A_109, %swap3A_110], %gather3A_108 {strides = array<i32>} : memref<80x16xf32, #tpu.memory_space<vmem>>, vector<16xf32>,
        %mul3A_112 = arith.constant 8 : i32
        %mul3A_113 = arith.muli %scan3A_66, %mul3A_112 : i32
        %add3A_114 = arith.constant 4 : i32
        %add3A_115 = arith.addi %mul3A_113, %add3A_114 : i32
        %broadcast_in_dim3A_116 = arith.constant 0 : i32
        %broadcast_in_dim3A_117 = vector.broadcast %broadcast_in_dim3A_116 : i32 to vector<16xi32>
        %add3A_118 = vector.broadcast %add3A_115 : i32 to vector<16xi32>
        %add3A_119 = arith.addi %broadcast_in_dim3A_117, %add3A_118 : vector<16xi32>
        %gather3A_120 = tpu.vector_load_idx %arg15[%min3A_1, %add3A_119] : memref<8x80xf32, #tpu.memory_space<vmem>>[vector<16xi32>, vector<16xi32>], vector<16xf32>,
        %swap3A_121 = arith.index_cast %add3A_115 : i32 to index
        %swap3A_122 = arith.constant 0 : index
        %swap3A_123 = tpu.vector_load %arg16[%swap3A_121, %swap3A_122] {strides = array<i32>} : memref<80x16xf32, #tpu.memory_space<vmem>>, vector<16xf32>,
        tpu.vector_store %arg16[%swap3A_121, %swap3A_122], %gather3A_120 {strides = array<i32>} : memref<80x16xf32, #tpu.memory_space<vmem>>, vector<16xf32>,
        %mul3A_124 = arith.constant 8 : i32
        %mul3A_125 = arith.muli %scan3A_66, %mul3A_124 : i32
        %add3A_126 = arith.constant 5 : i32
        %add3A_127 = arith.addi %mul3A_125, %add3A_126 : i32
        %broadcast_in_dim3A_128 = arith.constant 0 : i32
        %broadcast_in_dim3A_129 = vector.broadcast %broadcast_in_dim3A_128 : i32 to vector<16xi32>
        %add3A_130 = vector.broadcast %add3A_127 : i32 to vector<16xi32>
        %add3A_131 = arith.addi %broadcast_in_dim3A_129, %add3A_130 : vector<16xi32>
        %gather3A_132 = tpu.vector_load_idx %arg15[%min3A_1, %add3A_131] : memref<8x80xf32, #tpu.memory_space<vmem>>[vector<16xi32>, vector<16xi32>], vector<16xf32>,
        %swap3A_133 = arith.index_cast %add3A_127 : i32 to index
        %swap3A_134 = arith.constant 0 : index
        %swap3A_135 = tpu.vector_load %arg16[%swap3A_133, %swap3A_134] {strides = array<i32>} : memref<80x16xf32, #tpu.memory_space<vmem>>, vector<16xf32>,
        tpu.vector_store %arg16[%swap3A_133, %swap3A_134], %gather3A_132 {strides = array<i32>} : memref<80x16xf32, #tpu.memory_space<vmem>>, vector<16xf32>,
        %mul3A_136 = arith.constant 8 : i32
        %mul3A_137 = arith.muli %scan3A_66, %mul3A_136 : i32
        %add3A_138 = arith.constant 6 : i32
        %add3A_139 = arith.addi %mul3A_137, %add3A_138 : i32
        %broadcast_in_dim3A_140 = arith.constant 0 : i32
        %broadcast_in_dim3A_141 = vector.broadcast %broadcast_in_dim3A_140 : i32 to vector<16xi32>
        %add3A_142 = vector.broadcast %add3A_139 : i32 to vector<16xi32>
        %add3A_143 = arith.addi %broadcast_in_dim3A_141, %add3A_142 : vector<16xi32>
        %gather3A_144 = tpu.vector_load_idx %arg15[%min3A_1, %add3A_143] : memref<8x80xf32, #tpu.memory_space<vmem>>[vector<16xi32>, vector<16xi32>], vector<16xf32>,
        %swap3A_145 = arith.index_cast %add3A_139 : i32 to index
        %swap3A_146 = arith.constant 0 : index
        %swap3A_147 = tpu.vector_load %arg16[%swap3A_145, %swap3A_146] {strides = array<i32>} : memref<80x16xf32, #tpu.memory_space<vmem>>, vector<16xf32>,
        tpu.vector_store %arg16[%swap3A_145, %swap3A_146], %gather3A_144 {strides = array<i32>} : memref<80x16xf32, #tpu.memory_space<vmem>>, vector<16xf32>,
        %mul3A_148 = arith.constant 8 : i32
        %mul3A_149 = arith.muli %scan3A_66, %mul3A_148 : i32
        %add3A_150 = arith.constant 7 : i32
        %add3A_151 = arith.addi %mul3A_149, %add3A_150 : i32
        %broadcast_in_dim3A_152 = arith.constant 0 : i32
        %broadcast_in_dim3A_153 = vector.broadcast %broadcast_in_dim3A_152 : i32 to vector<16xi32>
        %add3A_154 = vector.broadcast %add3A_151 : i32 to vector<16xi32>
        %add3A_155 = arith.addi %broadcast_in_dim3A_153, %add3A_154 : vector<16xi32>
        %gather3A_156 = tpu.vector_load_idx %arg15[%min3A_1, %add3A_155] : memref<8x80xf32, #tpu.memory_space<vmem>>[vector<16xi32>, vector<16xi32>], vector<16xf32>,
        %swap3A_157 = arith.index_cast %add3A_151 : i32 to index
        %swap3A_158 = arith.constant 0 : index
        %swap3A_159 = tpu.vector_load %arg16[%swap3A_157, %swap3A_158] {strides = array<i32>} : memref<80x16xf32, #tpu.memory_space<vmem>>, vector<16xf32>,
        tpu.vector_store %arg16[%swap3A_157, %swap3A_158], %gather3A_156 {strides = array<i32>} : memref<80x16xf32, #tpu.memory_space<vmem>>, vector<16xf32>,
      }
      %scan3A_47 = arith.constant 10 : i32
      %dma_wait3A_48 = tpu.memref_slice %arg4[%add3A_29] : memref<320000xi32, #tpu.memory_space<hbm>> -> memref<80xi32, #tpu.memory_space<hbm>>
      %dma_wait3A_49 = tpu.memref_slice %arg4[%add3A_29] : memref<320000xi32, #tpu.memory_space<hbm>> -> memref<80xi32, #tpu.memory_space<hbm>>
      tpu.wait_dma2 semaphore(%arg17 : memref<!tpu.dma_semaphore, #tpu.memory_space<semaphore_mem>>) src(%dma_wait3A_49 : memref<80xi32, #tpu.memory_space<hbm>>) dst(%arg13 : memref<80xi32, #tpu.memory_space<vmem>>)
      %dma_wait3A_50 = arith.constant 0 : i32
      %dma_wait3A_51 = tpu.memref_slice %arg2[%add3A_29, %dma_wait3A_50] : memref<320000x128xf32, #tpu.memory_space<hbm>> -> memref<80x128xf32, #tpu.memory_space<hbm>>
      %dma_wait3A_52 = arith.constant 0 : i32
      %dma_wait3A_53 = tpu.memref_slice %arg2[%add3A_29, %dma_wait3A_52] : memref<320000x128xf32, #tpu.memory_space<hbm>> -> memref<80x128xf32, #tpu.memory_space<hbm>>
      tpu.wait_dma2 semaphore(%arg18 : memref<!tpu.dma_semaphore, #tpu.memory_space<semaphore_mem>>) src(%dma_wait3A_53 : memref<80x128xf32, #tpu.memory_space<hbm>>) dst(%arg14 : memref<80x128xf32, #tpu.memory_space<vmem>>)
      %dma_start3A_54 = arith.constant 0 : i32
      %dma_start3A_55 = arith.constant 0 : i32
      %dma_start3A_56 = tpu.memref_slice %arg11[%dma_start3A_54, %dma_start3A_55] : memref<10000x128xf32, #tpu.memory_space<vmem_shared>> -> memref<10000x128xf32, #tpu.memory_space<vmem_shared>>
      tpu.enqueue_indirect_dma source(%arg14 : memref<80x128xf32, #tpu.memory_space<vmem>>) target(%dma_start3A_56 : memref<10000x128xf32, #tpu.memory_space<vmem_shared>>) offsets(%arg13 : memref<80xi32, #tpu.memory_space<vmem>>) semaphore(%arg20 : memref<!tpu.dma_semaphore, #tpu.memory_space<semaphore_mem>>) {add = true}
      %dma_start3A_57 = arith.constant 0 : i32
      %dma_start3A_58 = arith.constant 0 : i32
      %dma_start3A_59 = tpu.memref_slice %arg12[%dma_start3A_57, %dma_start3A_58] : memref<10000x16xf32, #tpu.memory_space<vmem_shared>> -> memref<10000x16xf32, #tpu.memory_space<vmem_shared>>
      tpu.enqueue_indirect_dma source(%arg16 : memref<80x16xf32, #tpu.memory_space<vmem>>) target(%dma_start3A_59 : memref<10000x16xf32, #tpu.memory_space<vmem_shared>>) offsets(%arg13 : memref<80xi32, #tpu.memory_space<vmem>>) semaphore(%arg21 : memref<!tpu.dma_semaphore, #tpu.memory_space<semaphore_mem>>) {add = true}
      %dma_wait3A_60 = arith.constant 0 : i32
      %dma_wait3A_61 = arith.constant 0 : i32
      %dma_wait3A_62 = tpu.memref_slice %arg11[%dma_wait3A_60, %dma_wait3A_61] : memref<10000x128xf32, #tpu.memory_space<vmem_shared>> -> memref<10000x128xf32, #tpu.memory_space<vmem_shared>>
      tpu.wait_indirect_dma semaphore(%arg20 : memref<!tpu.dma_semaphore, #tpu.memory_space<semaphore_mem>>) src(%arg14 : memref<80x128xf32, #tpu.memory_space<vmem>>) dst(%dma_wait3A_62 : memref<10000x128xf32, #tpu.memory_space<vmem_shared>>)
      %dma_wait3A_63 = arith.constant 0 : i32
      %dma_wait3A_64 = arith.constant 0 : i32
      %dma_wait3A_65 = tpu.memref_slice %arg12[%dma_wait3A_63, %dma_wait3A_64] : memref<10000x16xf32, #tpu.memory_space<vmem_shared>> -> memref<10000x16xf32, #tpu.memory_space<vmem_shared>>
      tpu.wait_indirect_dma semaphore(%arg21 : memref<!tpu.dma_semaphore, #tpu.memory_space<semaphore_mem>>) src(%arg16 : memref<80x16xf32, #tpu.memory_space<vmem>>) dst(%dma_wait3A_65 : memref<10000x16xf32, #tpu.memory_space<vmem_shared>>)
    }
    %scan3A_17 = arith.constant 125 : i32
    %barrier3A_18 = arith.constant 0 : index
    tpu.barrier barrier_id(%barrier3A_18)
    %eq3A = arith.constant 0 : i32
    %eq3A_19 = arith.cmpi eq, %arg0, %eq3A : i32
    %convert_element_type3A = arith.extui %eq3A_19 : i1 to i32
    %cond3A = arith.constant 0 : i32
    %cond3A_20 = arith.cmpi ne, %convert_element_type3A, %cond3A : i32
    scf.if %cond3A_20 {
      %mul3A_26 = arith.constant 625 : i32
      %mul3A_27 = arith.muli %arg1, %mul3A_26 : i32
      %mul3A_28 = arith.constant 625 : i32
      %mul3A_29 = arith.muli %arg1, %mul3A_28 : i32
      "tpu.region"() ({
        %run_scoped3A = tpu.sem_alloc : memref<!tpu.dma_semaphore, #tpu.memory_space<semaphore_mem>>
        %dma_start3A = arith.constant 0 : i32
        %dma_start3A_34 = tpu.memref_slice %arg7[%mul3A_29, %dma_start3A] : memref<10000x128xf32, #tpu.memory_space<hbm>> -> memref<625x128xf32, #tpu.memory_space<hbm>>
        %dma_start3A_35 = arith.constant 0 : i32
        %dma_start3A_36 = tpu.memref_slice %arg11[%mul3A_27, %dma_start3A_35] : memref<10000x128xf32, #tpu.memory_space<vmem_shared>> -> memref<625x128xf32, #tpu.memory_space<vmem_shared>>
        tpu.enqueue_dma source(%dma_start3A_36 : memref<625x128xf32, #tpu.memory_space<vmem_shared>>) target(%dma_start3A_34 : memref<625x128xf32, #tpu.memory_space<hbm>>) target_semaphore(%run_scoped3A : memref<!tpu.dma_semaphore, #tpu.memory_space<semaphore_mem>>)
        %dma_wait3A = arith.constant 0 : i32
        %dma_wait3A_37 = tpu.memref_slice %arg7[%mul3A_29, %dma_wait3A] : memref<10000x128xf32, #tpu.memory_space<hbm>> -> memref<625x128xf32, #tpu.memory_space<hbm>>
        %dma_wait3A_38 = arith.constant 0 : i32
        %dma_wait3A_39 = tpu.memref_slice %arg11[%mul3A_27, %dma_wait3A_38] : memref<10000x128xf32, #tpu.memory_space<vmem_shared>> -> memref<625x128xf32, #tpu.memory_space<vmem_shared>>
        tpu.wait_dma2 semaphore(%run_scoped3A : memref<!tpu.dma_semaphore, #tpu.memory_space<semaphore_mem>>) src(%dma_wait3A_39 : memref<625x128xf32, #tpu.memory_space<vmem_shared>>) dst(%dma_wait3A_37 : memref<625x128xf32, #tpu.memory_space<hbm>>)
        tpu.yield
      }) : () -> ()
      %mul3A_30 = arith.constant 625 : i32
      %mul3A_31 = arith.muli %arg1, %mul3A_30 : i32
      %mul3A_32 = arith.constant 625 : i32
      %mul3A_33 = arith.muli %arg1, %mul3A_32 : i32
      "tpu.region"() ({
        %run_scoped3A = tpu.sem_alloc : memref<!tpu.dma_semaphore, #tpu.memory_space<semaphore_mem>>
        %dma_start3A = arith.constant 0 : i32
        %dma_start3A_34 = tpu.memref_slice %arg9[%mul3A_33, %dma_start3A] : memref<10000x16xf32, #tpu.memory_space<hbm>> -> memref<625x16xf32, #tpu.memory_space<hbm>>
        %dma_start3A_35 = arith.constant 0 : i32
        %dma_start3A_36 = tpu.memref_slice %arg12[%mul3A_31, %dma_start3A_35] : memref<10000x16xf32, #tpu.memory_space<vmem_shared>> -> memref<625x16xf32, #tpu.memory_space<vmem_shared>>
        tpu.enqueue_dma source(%dma_start3A_36 : memref<625x16xf32, #tpu.memory_space<vmem_shared>>) target(%dma_start3A_34 : memref<625x16xf32, #tpu.memory_space<hbm>>) target_semaphore(%run_scoped3A : memref<!tpu.dma_semaphore, #tpu.memory_space<semaphore_mem>>)
        %dma_wait3A = arith.constant 0 : i32
        %dma_wait3A_37 = tpu.memref_slice %arg9[%mul3A_33, %dma_wait3A] : memref<10000x16xf32, #tpu.memory_space<hbm>> -> memref<625x16xf32, #tpu.memory_space<hbm>>
        %dma_wait3A_38 = arith.constant 0 : i32
        %dma_wait3A_39 = tpu.memref_slice %arg12[%mul3A_31, %dma_wait3A_38] : memref<10000x16xf32, #tpu.memory_space<vmem_shared>> -> memref<625x16xf32, #tpu.memory_space<vmem_shared>>
        tpu.wait_dma2 semaphore(%run_scoped3A : memref<!tpu.dma_semaphore, #tpu.memory_space<semaphore_mem>>) src(%dma_wait3A_39 : memref<625x16xf32, #tpu.memory_space<vmem_shared>>) dst(%dma_wait3A_37 : memref<625x16xf32, #tpu.memory_space<hbm>>)
        tpu.yield
      }) : () -> ()
    } else {
    }
    %eq3A_21 = arith.constant 1 : i32
    %eq3A_22 = arith.cmpi eq, %arg0, %eq3A_21 : i32
    %convert_element_type3A_23 = arith.extui %eq3A_22 : i1 to i32
    %cond3A_24 = arith.constant 0 : i32
    %cond3A_25 = arith.cmpi ne, %convert_element_type3A_23, %cond3A_24 : i32
    scf.if %cond3A_25 {
      %mul3A_26 = arith.constant 625 : i32
      %mul3A_27 = arith.muli %arg1, %mul3A_26 : i32
      %mul3A_28 = arith.constant 625 : i32
      %mul3A_29 = arith.muli %arg1, %mul3A_28 : i32
      "tpu.region"() ({
        %run_scoped3A = tpu.sem_alloc : memref<!tpu.dma_semaphore, #tpu.memory_space<semaphore_mem>>
        %dma_start3A = arith.constant 0 : i32
        %dma_start3A_34 = tpu.memref_slice %arg8[%mul3A_29, %dma_start3A] : memref<10000x128xf32, #tpu.memory_space<hbm>> -> memref<625x128xf32, #tpu.memory_space<hbm>>
        %dma_start3A_35 = arith.constant 0 : i32
        %dma_start3A_36 = tpu.memref_slice %arg11[%mul3A_27, %dma_start3A_35] : memref<10000x128xf32, #tpu.memory_space<vmem_shared>> -> memref<625x128xf32, #tpu.memory_space<vmem_shared>>
        tpu.enqueue_dma source(%dma_start3A_36 : memref<625x128xf32, #tpu.memory_space<vmem_shared>>) target(%dma_start3A_34 : memref<625x128xf32, #tpu.memory_space<hbm>>) target_semaphore(%run_scoped3A : memref<!tpu.dma_semaphore, #tpu.memory_space<semaphore_mem>>)
        %dma_wait3A = arith.constant 0 : i32
        %dma_wait3A_37 = tpu.memref_slice %arg8[%mul3A_29, %dma_wait3A] : memref<10000x128xf32, #tpu.memory_space<hbm>> -> memref<625x128xf32, #tpu.memory_space<hbm>>
        %dma_wait3A_38 = arith.constant 0 : i32
        %dma_wait3A_39 = tpu.memref_slice %arg11[%mul3A_27, %dma_wait3A_38] : memref<10000x128xf32, #tpu.memory_space<vmem_shared>> -> memref<625x128xf32, #tpu.memory_space<vmem_shared>>
        tpu.wait_dma2 semaphore(%run_scoped3A : memref<!tpu.dma_semaphore, #tpu.memory_space<semaphore_mem>>) src(%dma_wait3A_39 : memref<625x128xf32, #tpu.memory_space<vmem_shared>>) dst(%dma_wait3A_37 : memref<625x128xf32, #tpu.memory_space<hbm>>)
        tpu.yield
      }) : () -> ()
      %mul3A_30 = arith.constant 625 : i32
      %mul3A_31 = arith.muli %arg1, %mul3A_30 : i32
      %mul3A_32 = arith.constant 625 : i32
      %mul3A_33 = arith.muli %arg1, %mul3A_32 : i32
      "tpu.region"() ({
        %run_scoped3A = tpu.sem_alloc : memref<!tpu.dma_semaphore, #tpu.memory_space<semaphore_mem>>
        %dma_start3A = arith.constant 0 : i32
        %dma_start3A_34 = tpu.memref_slice %arg10[%mul3A_33, %dma_start3A] : memref<10000x16xf32, #tpu.memory_space<hbm>> -> memref<625x16xf32, #tpu.memory_space<hbm>>
        %dma_start3A_35 = arith.constant 0 : i32
        %dma_start3A_36 = tpu.memref_slice %arg12[%mul3A_31, %dma_start3A_35] : memref<10000x16xf32, #tpu.memory_space<vmem_shared>> -> memref<625x16xf32, #tpu.memory_space<vmem_shared>>
        tpu.enqueue_dma source(%dma_start3A_36 : memref<625x16xf32, #tpu.memory_space<vmem_shared>>) target(%dma_start3A_34 : memref<625x16xf32, #tpu.memory_space<hbm>>) target_semaphore(%run_scoped3A : memref<!tpu.dma_semaphore, #tpu.memory_space<semaphore_mem>>)
        %dma_wait3A = arith.constant 0 : i32
        %dma_wait3A_37 = tpu.memref_slice %arg10[%mul3A_33, %dma_wait3A] : memref<10000x16xf32, #tpu.memory_space<hbm>> -> memref<625x16xf32, #tpu.memory_space<hbm>>
        %dma_wait3A_38 = arith.constant 0 : i32
        %dma_wait3A_39 = tpu.memref_slice %arg12[%mul3A_31, %dma_wait3A_38] : memref<10000x16xf32, #tpu.memory_space<vmem_shared>> -> memref<625x16xf32, #tpu.memory_space<vmem_shared>>
        tpu.wait_dma2 semaphore(%run_scoped3A : memref<!tpu.dma_semaphore, #tpu.memory_space<semaphore_mem>>) src(%dma_wait3A_39 : memref<625x16xf32, #tpu.memory_space<vmem_shared>>) dst(%dma_wait3A_37 : memref<625x16xf32, #tpu.memory_space<hbm>>)
        tpu.yield
      }) : () -> ()
    } else {
    }
    return
  }
}

#map = affine_map<(d0, d1) -> (0)>
#map1 = affine_map<(d0, d1) -> (0, 0)>
module attributes {stable_mosaic.version = 14 : i64} {
  func.func @_sc_gather(%arg0: i32, %arg1: i32, %arg2: memref<320000xi32, #tpu.memory_space<hbm>>, %arg3: memref<320000xi32, #tpu.memory_space<hbm>>, %arg4: memref<10000x128xf32, #tpu.memory_space<hbm>>, %arg5: memref<10000x128xf32, #tpu.memory_space<hbm>>, %arg6: memref<10000x4xf32, #tpu.memory_space<hbm>>, %arg7: memref<320000x128xf32, #tpu.memory_space<hbm>>, %arg8: memref<320000x128xf32, #tpu.memory_space<hbm>>, %arg9: memref<8x320000xf32, #tpu.memory_space<hbm>>, %arg10: memref<10000x4xf32, #tpu.memory_space<vmem>>, %arg11: memref<80xi32, #tpu.memory_space<vmem>>, %arg12: memref<80xi32, #tpu.memory_space<vmem>>, %arg13: memref<80x128xf32, #tpu.memory_space<vmem>>, %arg14: memref<80x128xf32, #tpu.memory_space<vmem>>, %arg15: memref<8x80xf32, #tpu.memory_space<vmem>>, %arg16: memref<!tpu.dma_semaphore, #tpu.memory_space<semaphore_mem>>, %arg17: memref<!tpu.dma_semaphore, #tpu.memory_space<semaphore_mem>>, %arg18: memref<!tpu.dma_semaphore, #tpu.memory_space<semaphore_mem>>, %arg19: memref<!tpu.dma_semaphore, #tpu.memory_space<semaphore_mem>>, %arg20: memref<!tpu.dma_semaphore, #tpu.memory_space<semaphore_mem>>, %arg21: memref<!tpu.dma_semaphore, #tpu.memory_space<semaphore_mem>>, %arg22: memref<!tpu.dma_semaphore, #tpu.memory_space<semaphore_mem>>) attributes {dimension_semantics = [#tpu.dimension_semantics<core_parallel>, #tpu.dimension_semantics<subcore_parallel>], iteration_bounds = array<i64: 2, 16>, scalar_prefetch = 0 : i64, scratch_operands = 13 : i64, tpu.core_type = #tpu.core_type<sc_vector_subcore>, window_params = [{transform_indices = #map}, {transform_indices = #map}, {transform_indices = #map1}, {transform_indices = #map1}, {transform_indices = #map1}, {transform_indices = #map1}, {transform_indices = #map1}, {transform_indices = #map1}]} {
    %mul3A = arith.constant 2 : i32
    %mul3A_0 = arith.muli %arg1, %mul3A : i32
    %add3A = arith.addi %mul3A_0, %arg0 : i32
    %mul3A_1 = arith.constant 10000 : i32
    %mul3A_2 = arith.muli %add3A, %mul3A_1 : i32
    "tpu.region"() ({
      %run_scoped3A = tpu.sem_alloc : memref<!tpu.dma_semaphore, #tpu.memory_space<semaphore_mem>>
      tpu.enqueue_dma source(%arg6 : memref<10000x4xf32, #tpu.memory_space<hbm>>) target(%arg10 : memref<10000x4xf32, #tpu.memory_space<vmem>>) target_semaphore(%run_scoped3A : memref<!tpu.dma_semaphore, #tpu.memory_space<semaphore_mem>>)
      tpu.wait_dma2 semaphore(%run_scoped3A : memref<!tpu.dma_semaphore, #tpu.memory_space<semaphore_mem>>) src(%arg6 : memref<10000x4xf32, #tpu.memory_space<hbm>>) dst(%arg10 : memref<10000x4xf32, #tpu.memory_space<vmem>>)
      tpu.yield
    }) : () -> ()
    %iota3A = tpu.iota {dimensions = array<i32: 0>} : vector<16xi32>
    %min3A = arith.constant 3 : i32
    %min3A_3 = vector.broadcast %min3A : i32 to vector<16xi32>
    %min3A_4 = arith.minsi %iota3A, %min3A_3 : vector<16xi32>
    %lt3A = arith.constant 4 : i32
    %lt3A_5 = vector.broadcast %lt3A : i32 to vector<16xi32>
    %lt3A_6 = arith.cmpi slt, %iota3A, %lt3A_5 : vector<16xi32>
    %broadcast_in_dim3A = arith.constant 0.000000e+00 : f32
    %broadcast_in_dim3A_7 = vector.broadcast %broadcast_in_dim3A : f32 to vector<16xf32>
    %swap3A = arith.constant 0 : i32
    %swap3A_8 = arith.index_cast %swap3A : i32 to index
    %swap3A_9 = arith.constant 0 : index
    %swap3A_10 = tpu.vector_load %arg15[%swap3A_8, %swap3A_9] {strides = array<i32>} : memref<8x80xf32, #tpu.memory_space<vmem>>, vector<16xf32>,
    tpu.vector_store %arg15[%swap3A_8, %swap3A_9], %broadcast_in_dim3A_7 {strides = array<i32>} : memref<8x80xf32, #tpu.memory_space<vmem>>, vector<16xf32>,
    %swap3A_11 = arith.constant 0 : i32
    %swap3A_12 = arith.index_cast %swap3A_11 : i32 to index
    %swap3A_13 = arith.constant 16 : index
    %swap3A_14 = tpu.vector_load %arg15[%swap3A_12, %swap3A_13] {strides = array<i32>} : memref<8x80xf32, #tpu.memory_space<vmem>>, vector<16xf32>,
    tpu.vector_store %arg15[%swap3A_12, %swap3A_13], %broadcast_in_dim3A_7 {strides = array<i32>} : memref<8x80xf32, #tpu.memory_space<vmem>>, vector<16xf32>,
    %swap3A_15 = arith.constant 0 : i32
    %swap3A_16 = arith.index_cast %swap3A_15 : i32 to index
    %swap3A_17 = arith.constant 32 : index
    %swap3A_18 = tpu.vector_load %arg15[%swap3A_16, %swap3A_17] {strides = array<i32>} : memref<8x80xf32, #tpu.memory_space<vmem>>, vector<16xf32>,
    tpu.vector_store %arg15[%swap3A_16, %swap3A_17], %broadcast_in_dim3A_7 {strides = array<i32>} : memref<8x80xf32, #tpu.memory_space<vmem>>, vector<16xf32>,
    %swap3A_19 = arith.constant 0 : i32
    %swap3A_20 = arith.index_cast %swap3A_19 : i32 to index
    %swap3A_21 = arith.constant 48 : index
    %swap3A_22 = tpu.vector_load %arg15[%swap3A_20, %swap3A_21] {strides = array<i32>} : memref<8x80xf32, #tpu.memory_space<vmem>>, vector<16xf32>,
    tpu.vector_store %arg15[%swap3A_20, %swap3A_21], %broadcast_in_dim3A_7 {strides = array<i32>} : memref<8x80xf32, #tpu.memory_space<vmem>>, vector<16xf32>,
    %swap3A_23 = arith.constant 0 : i32
    %swap3A_24 = arith.index_cast %swap3A_23 : i32 to index
    %swap3A_25 = arith.constant 64 : index
    %swap3A_26 = tpu.vector_load %arg15[%swap3A_24, %swap3A_25] {strides = array<i32>} : memref<8x80xf32, #tpu.memory_space<vmem>>, vector<16xf32>,
    tpu.vector_store %arg15[%swap3A_24, %swap3A_25], %broadcast_in_dim3A_7 {strides = array<i32>} : memref<8x80xf32, #tpu.memory_space<vmem>>, vector<16xf32>,
    %swap3A_27 = arith.constant 1 : i32
    %swap3A_28 = arith.index_cast %swap3A_27 : i32 to index
    %swap3A_29 = arith.constant 0 : index
    %swap3A_30 = tpu.vector_load %arg15[%swap3A_28, %swap3A_29] {strides = array<i32>} : memref<8x80xf32, #tpu.memory_space<vmem>>, vector<16xf32>,
    tpu.vector_store %arg15[%swap3A_28, %swap3A_29], %broadcast_in_dim3A_7 {strides = array<i32>} : memref<8x80xf32, #tpu.memory_space<vmem>>, vector<16xf32>,
    %swap3A_31 = arith.constant 1 : i32
    %swap3A_32 = arith.index_cast %swap3A_31 : i32 to index
    %swap3A_33 = arith.constant 16 : index
    %swap3A_34 = tpu.vector_load %arg15[%swap3A_32, %swap3A_33] {strides = array<i32>} : memref<8x80xf32, #tpu.memory_space<vmem>>, vector<16xf32>,
    tpu.vector_store %arg15[%swap3A_32, %swap3A_33], %broadcast_in_dim3A_7 {strides = array<i32>} : memref<8x80xf32, #tpu.memory_space<vmem>>, vector<16xf32>,
    %swap3A_35 = arith.constant 1 : i32
    %swap3A_36 = arith.index_cast %swap3A_35 : i32 to index
    %swap3A_37 = arith.constant 32 : index
    %swap3A_38 = tpu.vector_load %arg15[%swap3A_36, %swap3A_37] {strides = array<i32>} : memref<8x80xf32, #tpu.memory_space<vmem>>, vector<16xf32>,
    tpu.vector_store %arg15[%swap3A_36, %swap3A_37], %broadcast_in_dim3A_7 {strides = array<i32>} : memref<8x80xf32, #tpu.memory_space<vmem>>, vector<16xf32>,
    %swap3A_39 = arith.constant 1 : i32
    %swap3A_40 = arith.index_cast %swap3A_39 : i32 to index
    %swap3A_41 = arith.constant 48 : index
    %swap3A_42 = tpu.vector_load %arg15[%swap3A_40, %swap3A_41] {strides = array<i32>} : memref<8x80xf32, #tpu.memory_space<vmem>>, vector<16xf32>,
    tpu.vector_store %arg15[%swap3A_40, %swap3A_41], %broadcast_in_dim3A_7 {strides = array<i32>} : memref<8x80xf32, #tpu.memory_space<vmem>>, vector<16xf32>,
    %swap3A_43 = arith.constant 1 : i32
    %swap3A_44 = arith.index_cast %swap3A_43 : i32 to index
    %swap3A_45 = arith.constant 64 : index
    %swap3A_46 = tpu.vector_load %arg15[%swap3A_44, %swap3A_45] {strides = array<i32>} : memref<8x80xf32, #tpu.memory_space<vmem>>, vector<16xf32>,
    tpu.vector_store %arg15[%swap3A_44, %swap3A_45], %broadcast_in_dim3A_7 {strides = array<i32>} : memref<8x80xf32, #tpu.memory_space<vmem>>, vector<16xf32>,
    %swap3A_47 = arith.constant 2 : i32
    %swap3A_48 = arith.index_cast %swap3A_47 : i32 to index
    %swap3A_49 = arith.constant 0 : index
    %swap3A_50 = tpu.vector_load %arg15[%swap3A_48, %swap3A_49] {strides = array<i32>} : memref<8x80xf32, #tpu.memory_space<vmem>>, vector<16xf32>,
    tpu.vector_store %arg15[%swap3A_48, %swap3A_49], %broadcast_in_dim3A_7 {strides = array<i32>} : memref<8x80xf32, #tpu.memory_space<vmem>>, vector<16xf32>,
    %swap3A_51 = arith.constant 2 : i32
    %swap3A_52 = arith.index_cast %swap3A_51 : i32 to index
    %swap3A_53 = arith.constant 16 : index
    %swap3A_54 = tpu.vector_load %arg15[%swap3A_52, %swap3A_53] {strides = array<i32>} : memref<8x80xf32, #tpu.memory_space<vmem>>, vector<16xf32>,
    tpu.vector_store %arg15[%swap3A_52, %swap3A_53], %broadcast_in_dim3A_7 {strides = array<i32>} : memref<8x80xf32, #tpu.memory_space<vmem>>, vector<16xf32>,
    %swap3A_55 = arith.constant 2 : i32
    %swap3A_56 = arith.index_cast %swap3A_55 : i32 to index
    %swap3A_57 = arith.constant 32 : index
    %swap3A_58 = tpu.vector_load %arg15[%swap3A_56, %swap3A_57] {strides = array<i32>} : memref<8x80xf32, #tpu.memory_space<vmem>>, vector<16xf32>,
    tpu.vector_store %arg15[%swap3A_56, %swap3A_57], %broadcast_in_dim3A_7 {strides = array<i32>} : memref<8x80xf32, #tpu.memory_space<vmem>>, vector<16xf32>,
    %swap3A_59 = arith.constant 2 : i32
    %swap3A_60 = arith.index_cast %swap3A_59 : i32 to index
    %swap3A_61 = arith.constant 48 : index
    %swap3A_62 = tpu.vector_load %arg15[%swap3A_60, %swap3A_61] {strides = array<i32>} : memref<8x80xf32, #tpu.memory_space<vmem>>, vector<16xf32>,
    tpu.vector_store %arg15[%swap3A_60, %swap3A_61], %broadcast_in_dim3A_7 {strides = array<i32>} : memref<8x80xf32, #tpu.memory_space<vmem>>, vector<16xf32>,
    %swap3A_63 = arith.constant 2 : i32
    %swap3A_64 = arith.index_cast %swap3A_63 : i32 to index
    %swap3A_65 = arith.constant 64 : index
    %swap3A_66 = tpu.vector_load %arg15[%swap3A_64, %swap3A_65] {strides = array<i32>} : memref<8x80xf32, #tpu.memory_space<vmem>>, vector<16xf32>,
    tpu.vector_store %arg15[%swap3A_64, %swap3A_65], %broadcast_in_dim3A_7 {strides = array<i32>} : memref<8x80xf32, #tpu.memory_space<vmem>>, vector<16xf32>,
    %swap3A_67 = arith.constant 3 : i32
    %swap3A_68 = arith.index_cast %swap3A_67 : i32 to index
    %swap3A_69 = arith.constant 0 : index
    %swap3A_70 = tpu.vector_load %arg15[%swap3A_68, %swap3A_69] {strides = array<i32>} : memref<8x80xf32, #tpu.memory_space<vmem>>, vector<16xf32>,
    tpu.vector_store %arg15[%swap3A_68, %swap3A_69], %broadcast_in_dim3A_7 {strides = array<i32>} : memref<8x80xf32, #tpu.memory_space<vmem>>, vector<16xf32>,
    %swap3A_71 = arith.constant 3 : i32
    %swap3A_72 = arith.index_cast %swap3A_71 : i32 to index
    %swap3A_73 = arith.constant 16 : index
    %swap3A_74 = tpu.vector_load %arg15[%swap3A_72, %swap3A_73] {strides = array<i32>} : memref<8x80xf32, #tpu.memory_space<vmem>>, vector<16xf32>,
    tpu.vector_store %arg15[%swap3A_72, %swap3A_73], %broadcast_in_dim3A_7 {strides = array<i32>} : memref<8x80xf32, #tpu.memory_space<vmem>>, vector<16xf32>,
    %swap3A_75 = arith.constant 3 : i32
    %swap3A_76 = arith.index_cast %swap3A_75 : i32 to index
    %swap3A_77 = arith.constant 32 : index
    %swap3A_78 = tpu.vector_load %arg15[%swap3A_76, %swap3A_77] {strides = array<i32>} : memref<8x80xf32, #tpu.memory_space<vmem>>, vector<16xf32>,
    tpu.vector_store %arg15[%swap3A_76, %swap3A_77], %broadcast_in_dim3A_7 {strides = array<i32>} : memref<8x80xf32, #tpu.memory_space<vmem>>, vector<16xf32>,
    %swap3A_79 = arith.constant 3 : i32
    %swap3A_80 = arith.index_cast %swap3A_79 : i32 to index
    %swap3A_81 = arith.constant 48 : index
    %swap3A_82 = tpu.vector_load %arg15[%swap3A_80, %swap3A_81] {strides = array<i32>} : memref<8x80xf32, #tpu.memory_space<vmem>>, vector<16xf32>,
    tpu.vector_store %arg15[%swap3A_80, %swap3A_81], %broadcast_in_dim3A_7 {strides = array<i32>} : memref<8x80xf32, #tpu.memory_space<vmem>>, vector<16xf32>,
    %swap3A_83 = arith.constant 3 : i32
    %swap3A_84 = arith.index_cast %swap3A_83 : i32 to index
    %swap3A_85 = arith.constant 64 : index
    %swap3A_86 = tpu.vector_load %arg15[%swap3A_84, %swap3A_85] {strides = array<i32>} : memref<8x80xf32, #tpu.memory_space<vmem>>, vector<16xf32>,
    tpu.vector_store %arg15[%swap3A_84, %swap3A_85], %broadcast_in_dim3A_7 {strides = array<i32>} : memref<8x80xf32, #tpu.memory_space<vmem>>, vector<16xf32>,
    %swap3A_87 = arith.constant 4 : i32
    %swap3A_88 = arith.index_cast %swap3A_87 : i32 to index
    %swap3A_89 = arith.constant 0 : index
    %swap3A_90 = tpu.vector_load %arg15[%swap3A_88, %swap3A_89] {strides = array<i32>} : memref<8x80xf32, #tpu.memory_space<vmem>>, vector<16xf32>,
    tpu.vector_store %arg15[%swap3A_88, %swap3A_89], %broadcast_in_dim3A_7 {strides = array<i32>} : memref<8x80xf32, #tpu.memory_space<vmem>>, vector<16xf32>,
    %swap3A_91 = arith.constant 4 : i32
    %swap3A_92 = arith.index_cast %swap3A_91 : i32 to index
    %swap3A_93 = arith.constant 16 : index
    %swap3A_94 = tpu.vector_load %arg15[%swap3A_92, %swap3A_93] {strides = array<i32>} : memref<8x80xf32, #tpu.memory_space<vmem>>, vector<16xf32>,
    tpu.vector_store %arg15[%swap3A_92, %swap3A_93], %broadcast_in_dim3A_7 {strides = array<i32>} : memref<8x80xf32, #tpu.memory_space<vmem>>, vector<16xf32>,
    %swap3A_95 = arith.constant 4 : i32
    %swap3A_96 = arith.index_cast %swap3A_95 : i32 to index
    %swap3A_97 = arith.constant 32 : index
    %swap3A_98 = tpu.vector_load %arg15[%swap3A_96, %swap3A_97] {strides = array<i32>} : memref<8x80xf32, #tpu.memory_space<vmem>>, vector<16xf32>,
    tpu.vector_store %arg15[%swap3A_96, %swap3A_97], %broadcast_in_dim3A_7 {strides = array<i32>} : memref<8x80xf32, #tpu.memory_space<vmem>>, vector<16xf32>,
    %swap3A_99 = arith.constant 4 : i32
    %swap3A_100 = arith.index_cast %swap3A_99 : i32 to index
    %swap3A_101 = arith.constant 48 : index
    %swap3A_102 = tpu.vector_load %arg15[%swap3A_100, %swap3A_101] {strides = array<i32>} : memref<8x80xf32, #tpu.memory_space<vmem>>, vector<16xf32>,
    tpu.vector_store %arg15[%swap3A_100, %swap3A_101], %broadcast_in_dim3A_7 {strides = array<i32>} : memref<8x80xf32, #tpu.memory_space<vmem>>, vector<16xf32>,
    %swap3A_103 = arith.constant 4 : i32
    %swap3A_104 = arith.index_cast %swap3A_103 : i32 to index
    %swap3A_105 = arith.constant 64 : index
    %swap3A_106 = tpu.vector_load %arg15[%swap3A_104, %swap3A_105] {strides = array<i32>} : memref<8x80xf32, #tpu.memory_space<vmem>>, vector<16xf32>,
    tpu.vector_store %arg15[%swap3A_104, %swap3A_105], %broadcast_in_dim3A_7 {strides = array<i32>} : memref<8x80xf32, #tpu.memory_space<vmem>>, vector<16xf32>,
    %swap3A_107 = arith.constant 5 : i32
    %swap3A_108 = arith.index_cast %swap3A_107 : i32 to index
    %swap3A_109 = arith.constant 0 : index
    %swap3A_110 = tpu.vector_load %arg15[%swap3A_108, %swap3A_109] {strides = array<i32>} : memref<8x80xf32, #tpu.memory_space<vmem>>, vector<16xf32>,
    tpu.vector_store %arg15[%swap3A_108, %swap3A_109], %broadcast_in_dim3A_7 {strides = array<i32>} : memref<8x80xf32, #tpu.memory_space<vmem>>, vector<16xf32>,
    %swap3A_111 = arith.constant 5 : i32
    %swap3A_112 = arith.index_cast %swap3A_111 : i32 to index
    %swap3A_113 = arith.constant 16 : index
    %swap3A_114 = tpu.vector_load %arg15[%swap3A_112, %swap3A_113] {strides = array<i32>} : memref<8x80xf32, #tpu.memory_space<vmem>>, vector<16xf32>,
    tpu.vector_store %arg15[%swap3A_112, %swap3A_113], %broadcast_in_dim3A_7 {strides = array<i32>} : memref<8x80xf32, #tpu.memory_space<vmem>>, vector<16xf32>,
    %swap3A_115 = arith.constant 5 : i32
    %swap3A_116 = arith.index_cast %swap3A_115 : i32 to index
    %swap3A_117 = arith.constant 32 : index
    %swap3A_118 = tpu.vector_load %arg15[%swap3A_116, %swap3A_117] {strides = array<i32>} : memref<8x80xf32, #tpu.memory_space<vmem>>, vector<16xf32>,
    tpu.vector_store %arg15[%swap3A_116, %swap3A_117], %broadcast_in_dim3A_7 {strides = array<i32>} : memref<8x80xf32, #tpu.memory_space<vmem>>, vector<16xf32>,
    %swap3A_119 = arith.constant 5 : i32
    %swap3A_120 = arith.index_cast %swap3A_119 : i32 to index
    %swap3A_121 = arith.constant 48 : index
    %swap3A_122 = tpu.vector_load %arg15[%swap3A_120, %swap3A_121] {strides = array<i32>} : memref<8x80xf32, #tpu.memory_space<vmem>>, vector<16xf32>,
    tpu.vector_store %arg15[%swap3A_120, %swap3A_121], %broadcast_in_dim3A_7 {strides = array<i32>} : memref<8x80xf32, #tpu.memory_space<vmem>>, vector<16xf32>,
    %swap3A_123 = arith.constant 5 : i32
    %swap3A_124 = arith.index_cast %swap3A_123 : i32 to index
    %swap3A_125 = arith.constant 64 : index
    %swap3A_126 = tpu.vector_load %arg15[%swap3A_124, %swap3A_125] {strides = array<i32>} : memref<8x80xf32, #tpu.memory_space<vmem>>, vector<16xf32>,
    tpu.vector_store %arg15[%swap3A_124, %swap3A_125], %broadcast_in_dim3A_7 {strides = array<i32>} : memref<8x80xf32, #tpu.memory_space<vmem>>, vector<16xf32>,
    %swap3A_127 = arith.constant 6 : i32
    %swap3A_128 = arith.index_cast %swap3A_127 : i32 to index
    %swap3A_129 = arith.constant 0 : index
    %swap3A_130 = tpu.vector_load %arg15[%swap3A_128, %swap3A_129] {strides = array<i32>} : memref<8x80xf32, #tpu.memory_space<vmem>>, vector<16xf32>,
    tpu.vector_store %arg15[%swap3A_128, %swap3A_129], %broadcast_in_dim3A_7 {strides = array<i32>} : memref<8x80xf32, #tpu.memory_space<vmem>>, vector<16xf32>,
    %swap3A_131 = arith.constant 6 : i32
    %swap3A_132 = arith.index_cast %swap3A_131 : i32 to index
    %swap3A_133 = arith.constant 16 : index
    %swap3A_134 = tpu.vector_load %arg15[%swap3A_132, %swap3A_133] {strides = array<i32>} : memref<8x80xf32, #tpu.memory_space<vmem>>, vector<16xf32>,
    tpu.vector_store %arg15[%swap3A_132, %swap3A_133], %broadcast_in_dim3A_7 {strides = array<i32>} : memref<8x80xf32, #tpu.memory_space<vmem>>, vector<16xf32>,
    %swap3A_135 = arith.constant 6 : i32
    %swap3A_136 = arith.index_cast %swap3A_135 : i32 to index
    %swap3A_137 = arith.constant 32 : index
    %swap3A_138 = tpu.vector_load %arg15[%swap3A_136, %swap3A_137] {strides = array<i32>} : memref<8x80xf32, #tpu.memory_space<vmem>>, vector<16xf32>,
    tpu.vector_store %arg15[%swap3A_136, %swap3A_137], %broadcast_in_dim3A_7 {strides = array<i32>} : memref<8x80xf32, #tpu.memory_space<vmem>>, vector<16xf32>,
    %swap3A_139 = arith.constant 6 : i32
    %swap3A_140 = arith.index_cast %swap3A_139 : i32 to index
    %swap3A_141 = arith.constant 48 : index
    %swap3A_142 = tpu.vector_load %arg15[%swap3A_140, %swap3A_141] {strides = array<i32>} : memref<8x80xf32, #tpu.memory_space<vmem>>, vector<16xf32>,
    tpu.vector_store %arg15[%swap3A_140, %swap3A_141], %broadcast_in_dim3A_7 {strides = array<i32>} : memref<8x80xf32, #tpu.memory_space<vmem>>, vector<16xf32>,
    %swap3A_143 = arith.constant 6 : i32
    %swap3A_144 = arith.index_cast %swap3A_143 : i32 to index
    %swap3A_145 = arith.constant 64 : index
    %swap3A_146 = tpu.vector_load %arg15[%swap3A_144, %swap3A_145] {strides = array<i32>} : memref<8x80xf32, #tpu.memory_space<vmem>>, vector<16xf32>,
    tpu.vector_store %arg15[%swap3A_144, %swap3A_145], %broadcast_in_dim3A_7 {strides = array<i32>} : memref<8x80xf32, #tpu.memory_space<vmem>>, vector<16xf32>,
    %swap3A_147 = arith.constant 7 : i32
    %swap3A_148 = arith.index_cast %swap3A_147 : i32 to index
    %swap3A_149 = arith.constant 0 : index
    %swap3A_150 = tpu.vector_load %arg15[%swap3A_148, %swap3A_149] {strides = array<i32>} : memref<8x80xf32, #tpu.memory_space<vmem>>, vector<16xf32>,
    tpu.vector_store %arg15[%swap3A_148, %swap3A_149], %broadcast_in_dim3A_7 {strides = array<i32>} : memref<8x80xf32, #tpu.memory_space<vmem>>, vector<16xf32>,
    %swap3A_151 = arith.constant 7 : i32
    %swap3A_152 = arith.index_cast %swap3A_151 : i32 to index
    %swap3A_153 = arith.constant 16 : index
    %swap3A_154 = tpu.vector_load %arg15[%swap3A_152, %swap3A_153] {strides = array<i32>} : memref<8x80xf32, #tpu.memory_space<vmem>>, vector<16xf32>,
    tpu.vector_store %arg15[%swap3A_152, %swap3A_153], %broadcast_in_dim3A_7 {strides = array<i32>} : memref<8x80xf32, #tpu.memory_space<vmem>>, vector<16xf32>,
    %swap3A_155 = arith.constant 7 : i32
    %swap3A_156 = arith.index_cast %swap3A_155 : i32 to index
    %swap3A_157 = arith.constant 32 : index
    %swap3A_158 = tpu.vector_load %arg15[%swap3A_156, %swap3A_157] {strides = array<i32>} : memref<8x80xf32, #tpu.memory_space<vmem>>, vector<16xf32>,
    tpu.vector_store %arg15[%swap3A_156, %swap3A_157], %broadcast_in_dim3A_7 {strides = array<i32>} : memref<8x80xf32, #tpu.memory_space<vmem>>, vector<16xf32>,
    %swap3A_159 = arith.constant 7 : i32
    %swap3A_160 = arith.index_cast %swap3A_159 : i32 to index
    %swap3A_161 = arith.constant 48 : index
    %swap3A_162 = tpu.vector_load %arg15[%swap3A_160, %swap3A_161] {strides = array<i32>} : memref<8x80xf32, #tpu.memory_space<vmem>>, vector<16xf32>,
    tpu.vector_store %arg15[%swap3A_160, %swap3A_161], %broadcast_in_dim3A_7 {strides = array<i32>} : memref<8x80xf32, #tpu.memory_space<vmem>>, vector<16xf32>,
    %swap3A_163 = arith.constant 7 : i32
    %swap3A_164 = arith.index_cast %swap3A_163 : i32 to index
    %swap3A_165 = arith.constant 64 : index
    %swap3A_166 = tpu.vector_load %arg15[%swap3A_164, %swap3A_165] {strides = array<i32>} : memref<8x80xf32, #tpu.memory_space<vmem>>, vector<16xf32>,
    tpu.vector_store %arg15[%swap3A_164, %swap3A_165], %broadcast_in_dim3A_7 {strides = array<i32>} : memref<8x80xf32, #tpu.memory_space<vmem>>, vector<16xf32>,
    %scan3A = arith.constant 0 : i32
    %scan3A_167 = arith.constant 0 : i32
    %scan3A_168 = arith.constant 125 : i32
    %scan3A_169 = arith.addi %scan3A_167, %scan3A_168 : i32
    %scan3A_170 = arith.constant 1 : i32
    scf.for %scan3A_172 = %scan3A_167 to %scan3A_169 step %scan3A_170  : i32 {
      %mul3A_173 = arith.constant 80 : i32
      %mul3A_174 = arith.muli %scan3A_172, %mul3A_173 : i32
      %add3A_175 = arith.addi %mul3A_2, %mul3A_174 : i32
      %dma_start3A = tpu.memref_slice %arg2[%add3A_175] : memref<320000xi32, #tpu.memory_space<hbm>> -> memref<80xi32, #tpu.memory_space<hbm>>
      %dma_start3A_176 = tpu.memref_slice %arg2[%add3A_175] : memref<320000xi32, #tpu.memory_space<hbm>> -> memref<80xi32, #tpu.memory_space<hbm>>
      tpu.enqueue_dma source(%dma_start3A_176 : memref<80xi32, #tpu.memory_space<hbm>>) target(%arg11 : memref<80xi32, #tpu.memory_space<vmem>>) target_semaphore(%arg18 : memref<!tpu.dma_semaphore, #tpu.memory_space<semaphore_mem>>)
      %dma_start3A_177 = tpu.memref_slice %arg3[%add3A_175] : memref<320000xi32, #tpu.memory_space<hbm>> -> memref<80xi32, #tpu.memory_space<hbm>>
      %dma_start3A_178 = tpu.memref_slice %arg3[%add3A_175] : memref<320000xi32, #tpu.memory_space<hbm>> -> memref<80xi32, #tpu.memory_space<hbm>>
      tpu.enqueue_dma source(%dma_start3A_178 : memref<80xi32, #tpu.memory_space<hbm>>) target(%arg12 : memref<80xi32, #tpu.memory_space<vmem>>) target_semaphore(%arg19 : memref<!tpu.dma_semaphore, #tpu.memory_space<semaphore_mem>>)
      %dma_wait3A = tpu.memref_slice %arg2[%add3A_175] : memref<320000xi32, #tpu.memory_space<hbm>> -> memref<80xi32, #tpu.memory_space<hbm>>
      %dma_wait3A_179 = tpu.memref_slice %arg2[%add3A_175] : memref<320000xi32, #tpu.memory_space<hbm>> -> memref<80xi32, #tpu.memory_space<hbm>>
      tpu.wait_dma2 semaphore(%arg18 : memref<!tpu.dma_semaphore, #tpu.memory_space<semaphore_mem>>) src(%dma_wait3A_179 : memref<80xi32, #tpu.memory_space<hbm>>) dst(%arg11 : memref<80xi32, #tpu.memory_space<vmem>>)
      %dma_wait3A_180 = tpu.memref_slice %arg3[%add3A_175] : memref<320000xi32, #tpu.memory_space<hbm>> -> memref<80xi32, #tpu.memory_space<hbm>>
      %dma_wait3A_181 = tpu.memref_slice %arg3[%add3A_175] : memref<320000xi32, #tpu.memory_space<hbm>> -> memref<80xi32, #tpu.memory_space<hbm>>
      tpu.wait_dma2 semaphore(%arg19 : memref<!tpu.dma_semaphore, #tpu.memory_space<semaphore_mem>>) src(%dma_wait3A_181 : memref<80xi32, #tpu.memory_space<hbm>>) dst(%arg12 : memref<80xi32, #tpu.memory_space<vmem>>)
      %dma_start3A_182 = arith.constant 0 : i32
      %dma_start3A_183 = arith.constant 0 : i32
      %dma_start3A_184 = tpu.memref_slice %arg4[%dma_start3A_182, %dma_start3A_183] : memref<10000x128xf32, #tpu.memory_space<hbm>> -> memref<10000x128xf32, #tpu.memory_space<hbm>>
      tpu.enqueue_indirect_dma source(%dma_start3A_184 : memref<10000x128xf32, #tpu.memory_space<hbm>>) target(%arg13 : memref<80x128xf32, #tpu.memory_space<vmem>>) offsets(%arg11 : memref<80xi32, #tpu.memory_space<vmem>>) semaphore(%arg16 : memref<!tpu.dma_semaphore, #tpu.memory_space<semaphore_mem>>)
      %dma_start3A_185 = arith.constant 0 : i32
      %dma_start3A_186 = arith.constant 0 : i32
      %dma_start3A_187 = tpu.memref_slice %arg5[%dma_start3A_185, %dma_start3A_186] : memref<10000x128xf32, #tpu.memory_space<hbm>> -> memref<10000x128xf32, #tpu.memory_space<hbm>>
      tpu.enqueue_indirect_dma source(%dma_start3A_187 : memref<10000x128xf32, #tpu.memory_space<hbm>>) target(%arg14 : memref<80x128xf32, #tpu.memory_space<vmem>>) offsets(%arg12 : memref<80xi32, #tpu.memory_space<vmem>>) semaphore(%arg17 : memref<!tpu.dma_semaphore, #tpu.memory_space<semaphore_mem>>)
      %scan3A_188 = arith.constant 0 : i32
      %scan3A_189 = arith.constant 0 : i32
      %scan3A_190 = arith.constant 10 : i32
      %scan3A_191 = arith.addi %scan3A_189, %scan3A_190 : i32
      %scan3A_192 = arith.constant 1 : i32
      scf.for %scan3A_224 = %scan3A_189 to %scan3A_191 step %scan3A_192  : i32 {
        %mul3A_225 = arith.constant 8 : i32
        %mul3A_226 = arith.muli %scan3A_224, %mul3A_225 : i32
        %add3A_227 = arith.constant 0 : i32
        %add3A_228 = arith.addi %mul3A_226, %add3A_227 : i32
        %broadcast_in_dim3A_229 = arith.constant 0 : i32
        %broadcast_in_dim3A_230 = vector.broadcast %broadcast_in_dim3A_229 : i32 to vector<16xi32>
        %add3A_231 = vector.broadcast %add3A_228 : i32 to vector<16xi32>
        %add3A_232 = arith.addi %broadcast_in_dim3A_230, %add3A_231 : vector<16xi32>
        %gather3A = tpu.vector_load_idx %arg11[%add3A_232] : memref<80xi32, #tpu.memory_space<vmem>>[vector<16xi32>], vector<16xi32>,
        %gather3A_233 = tpu.vector_load_idx %arg12[%add3A_232] : memref<80xi32, #tpu.memory_space<vmem>>[vector<16xi32>], vector<16xi32>,
        %gather3A_234 = tpu.vector_load_idx %arg10[%gather3A, %min3A_4] : memref<10000x4xf32, #tpu.memory_space<vmem>>[vector<16xi32>, vector<16xi32>], vector<16xf32>,
        %gather3A_235 = tpu.vector_load_idx %arg10[%gather3A_233, %min3A_4] : memref<10000x4xf32, #tpu.memory_space<vmem>>[vector<16xi32>, vector<16xi32>], vector<16xf32>,
        %sub3A = arith.subf %gather3A_234, %gather3A_235 : vector<16xf32>
        tpu.vector_store_idx %arg15[%min3A_4, %add3A_232], %sub3A masked %lt3A_6 : memref<8x80xf32, #tpu.memory_space<vmem>>[vector<16xi32>, vector<16xi32>], vector<16xf32>, vector<16xi1>
        %mul3A_236 = arith.constant 8 : i32
        %mul3A_237 = arith.muli %scan3A_224, %mul3A_236 : i32
        %add3A_238 = arith.constant 1 : i32
        %add3A_239 = arith.addi %mul3A_237, %add3A_238 : i32
        %broadcast_in_dim3A_240 = arith.constant 0 : i32
        %broadcast_in_dim3A_241 = vector.broadcast %broadcast_in_dim3A_240 : i32 to vector<16xi32>
        %add3A_242 = vector.broadcast %add3A_239 : i32 to vector<16xi32>
        %add3A_243 = arith.addi %broadcast_in_dim3A_241, %add3A_242 : vector<16xi32>
        %gather3A_244 = tpu.vector_load_idx %arg11[%add3A_243] : memref<80xi32, #tpu.memory_space<vmem>>[vector<16xi32>], vector<16xi32>,
        %gather3A_245 = tpu.vector_load_idx %arg12[%add3A_243] : memref<80xi32, #tpu.memory_space<vmem>>[vector<16xi32>], vector<16xi32>,
        %gather3A_246 = tpu.vector_load_idx %arg10[%gather3A_244, %min3A_4] : memref<10000x4xf32, #tpu.memory_space<vmem>>[vector<16xi32>, vector<16xi32>], vector<16xf32>,
        %gather3A_247 = tpu.vector_load_idx %arg10[%gather3A_245, %min3A_4] : memref<10000x4xf32, #tpu.memory_space<vmem>>[vector<16xi32>, vector<16xi32>], vector<16xf32>,
        %sub3A_248 = arith.subf %gather3A_246, %gather3A_247 : vector<16xf32>
        tpu.vector_store_idx %arg15[%min3A_4, %add3A_243], %sub3A_248 masked %lt3A_6 : memref<8x80xf32, #tpu.memory_space<vmem>>[vector<16xi32>, vector<16xi32>], vector<16xf32>, vector<16xi1>
        %mul3A_249 = arith.constant 8 : i32
        %mul3A_250 = arith.muli %scan3A_224, %mul3A_249 : i32
        %add3A_251 = arith.constant 2 : i32
        %add3A_252 = arith.addi %mul3A_250, %add3A_251 : i32
        %broadcast_in_dim3A_253 = arith.constant 0 : i32
        %broadcast_in_dim3A_254 = vector.broadcast %broadcast_in_dim3A_253 : i32 to vector<16xi32>
        %add3A_255 = vector.broadcast %add3A_252 : i32 to vector<16xi32>
        %add3A_256 = arith.addi %broadcast_in_dim3A_254, %add3A_255 : vector<16xi32>
        %gather3A_257 = tpu.vector_load_idx %arg11[%add3A_256] : memref<80xi32, #tpu.memory_space<vmem>>[vector<16xi32>], vector<16xi32>,
        %gather3A_258 = tpu.vector_load_idx %arg12[%add3A_256] : memref<80xi32, #tpu.memory_space<vmem>>[vector<16xi32>], vector<16xi32>,
        %gather3A_259 = tpu.vector_load_idx %arg10[%gather3A_257, %min3A_4] : memref<10000x4xf32, #tpu.memory_space<vmem>>[vector<16xi32>, vector<16xi32>], vector<16xf32>,
        %gather3A_260 = tpu.vector_load_idx %arg10[%gather3A_258, %min3A_4] : memref<10000x4xf32, #tpu.memory_space<vmem>>[vector<16xi32>, vector<16xi32>], vector<16xf32>,
        %sub3A_261 = arith.subf %gather3A_259, %gather3A_260 : vector<16xf32>
        tpu.vector_store_idx %arg15[%min3A_4, %add3A_256], %sub3A_261 masked %lt3A_6 : memref<8x80xf32, #tpu.memory_space<vmem>>[vector<16xi32>, vector<16xi32>], vector<16xf32>, vector<16xi1>
        %mul3A_262 = arith.constant 8 : i32
        %mul3A_263 = arith.muli %scan3A_224, %mul3A_262 : i32
        %add3A_264 = arith.constant 3 : i32
        %add3A_265 = arith.addi %mul3A_263, %add3A_264 : i32
        %broadcast_in_dim3A_266 = arith.constant 0 : i32
        %broadcast_in_dim3A_267 = vector.broadcast %broadcast_in_dim3A_266 : i32 to vector<16xi32>
        %add3A_268 = vector.broadcast %add3A_265 : i32 to vector<16xi32>
        %add3A_269 = arith.addi %broadcast_in_dim3A_267, %add3A_268 : vector<16xi32>
        %gather3A_270 = tpu.vector_load_idx %arg11[%add3A_269] : memref<80xi32, #tpu.memory_space<vmem>>[vector<16xi32>], vector<16xi32>,
        %gather3A_271 = tpu.vector_load_idx %arg12[%add3A_269] : memref<80xi32, #tpu.memory_space<vmem>>[vector<16xi32>], vector<16xi32>,
        %gather3A_272 = tpu.vector_load_idx %arg10[%gather3A_270, %min3A_4] : memref<10000x4xf32, #tpu.memory_space<vmem>>[vector<16xi32>, vector<16xi32>], vector<16xf32>,
        %gather3A_273 = tpu.vector_load_idx %arg10[%gather3A_271, %min3A_4] : memref<10000x4xf32, #tpu.memory_space<vmem>>[vector<16xi32>, vector<16xi32>], vector<16xf32>,
        %sub3A_274 = arith.subf %gather3A_272, %gather3A_273 : vector<16xf32>
        tpu.vector_store_idx %arg15[%min3A_4, %add3A_269], %sub3A_274 masked %lt3A_6 : memref<8x80xf32, #tpu.memory_space<vmem>>[vector<16xi32>, vector<16xi32>], vector<16xf32>, vector<16xi1>
        %mul3A_275 = arith.constant 8 : i32
        %mul3A_276 = arith.muli %scan3A_224, %mul3A_275 : i32
        %add3A_277 = arith.constant 4 : i32
        %add3A_278 = arith.addi %mul3A_276, %add3A_277 : i32
        %broadcast_in_dim3A_279 = arith.constant 0 : i32
        %broadcast_in_dim3A_280 = vector.broadcast %broadcast_in_dim3A_279 : i32 to vector<16xi32>
        %add3A_281 = vector.broadcast %add3A_278 : i32 to vector<16xi32>
        %add3A_282 = arith.addi %broadcast_in_dim3A_280, %add3A_281 : vector<16xi32>
        %gather3A_283 = tpu.vector_load_idx %arg11[%add3A_282] : memref<80xi32, #tpu.memory_space<vmem>>[vector<16xi32>], vector<16xi32>,
        %gather3A_284 = tpu.vector_load_idx %arg12[%add3A_282] : memref<80xi32, #tpu.memory_space<vmem>>[vector<16xi32>], vector<16xi32>,
        %gather3A_285 = tpu.vector_load_idx %arg10[%gather3A_283, %min3A_4] : memref<10000x4xf32, #tpu.memory_space<vmem>>[vector<16xi32>, vector<16xi32>], vector<16xf32>,
        %gather3A_286 = tpu.vector_load_idx %arg10[%gather3A_284, %min3A_4] : memref<10000x4xf32, #tpu.memory_space<vmem>>[vector<16xi32>, vector<16xi32>], vector<16xf32>,
        %sub3A_287 = arith.subf %gather3A_285, %gather3A_286 : vector<16xf32>
        tpu.vector_store_idx %arg15[%min3A_4, %add3A_282], %sub3A_287 masked %lt3A_6 : memref<8x80xf32, #tpu.memory_space<vmem>>[vector<16xi32>, vector<16xi32>], vector<16xf32>, vector<16xi1>
        %mul3A_288 = arith.constant 8 : i32
        %mul3A_289 = arith.muli %scan3A_224, %mul3A_288 : i32
        %add3A_290 = arith.constant 5 : i32
        %add3A_291 = arith.addi %mul3A_289, %add3A_290 : i32
        %broadcast_in_dim3A_292 = arith.constant 0 : i32
        %broadcast_in_dim3A_293 = vector.broadcast %broadcast_in_dim3A_292 : i32 to vector<16xi32>
        %add3A_294 = vector.broadcast %add3A_291 : i32 to vector<16xi32>
        %add3A_295 = arith.addi %broadcast_in_dim3A_293, %add3A_294 : vector<16xi32>
        %gather3A_296 = tpu.vector_load_idx %arg11[%add3A_295] : memref<80xi32, #tpu.memory_space<vmem>>[vector<16xi32>], vector<16xi32>,
        %gather3A_297 = tpu.vector_load_idx %arg12[%add3A_295] : memref<80xi32, #tpu.memory_space<vmem>>[vector<16xi32>], vector<16xi32>,
        %gather3A_298 = tpu.vector_load_idx %arg10[%gather3A_296, %min3A_4] : memref<10000x4xf32, #tpu.memory_space<vmem>>[vector<16xi32>, vector<16xi32>], vector<16xf32>,
        %gather3A_299 = tpu.vector_load_idx %arg10[%gather3A_297, %min3A_4] : memref<10000x4xf32, #tpu.memory_space<vmem>>[vector<16xi32>, vector<16xi32>], vector<16xf32>,
        %sub3A_300 = arith.subf %gather3A_298, %gather3A_299 : vector<16xf32>
        tpu.vector_store_idx %arg15[%min3A_4, %add3A_295], %sub3A_300 masked %lt3A_6 : memref<8x80xf32, #tpu.memory_space<vmem>>[vector<16xi32>, vector<16xi32>], vector<16xf32>, vector<16xi1>
        %mul3A_301 = arith.constant 8 : i32
        %mul3A_302 = arith.muli %scan3A_224, %mul3A_301 : i32
        %add3A_303 = arith.constant 6 : i32
        %add3A_304 = arith.addi %mul3A_302, %add3A_303 : i32
        %broadcast_in_dim3A_305 = arith.constant 0 : i32
        %broadcast_in_dim3A_306 = vector.broadcast %broadcast_in_dim3A_305 : i32 to vector<16xi32>
        %add3A_307 = vector.broadcast %add3A_304 : i32 to vector<16xi32>
        %add3A_308 = arith.addi %broadcast_in_dim3A_306, %add3A_307 : vector<16xi32>
        %gather3A_309 = tpu.vector_load_idx %arg11[%add3A_308] : memref<80xi32, #tpu.memory_space<vmem>>[vector<16xi32>], vector<16xi32>,
        %gather3A_310 = tpu.vector_load_idx %arg12[%add3A_308] : memref<80xi32, #tpu.memory_space<vmem>>[vector<16xi32>], vector<16xi32>,
        %gather3A_311 = tpu.vector_load_idx %arg10[%gather3A_309, %min3A_4] : memref<10000x4xf32, #tpu.memory_space<vmem>>[vector<16xi32>, vector<16xi32>], vector<16xf32>,
        %gather3A_312 = tpu.vector_load_idx %arg10[%gather3A_310, %min3A_4] : memref<10000x4xf32, #tpu.memory_space<vmem>>[vector<16xi32>, vector<16xi32>], vector<16xf32>,
        %sub3A_313 = arith.subf %gather3A_311, %gather3A_312 : vector<16xf32>
        tpu.vector_store_idx %arg15[%min3A_4, %add3A_308], %sub3A_313 masked %lt3A_6 : memref<8x80xf32, #tpu.memory_space<vmem>>[vector<16xi32>, vector<16xi32>], vector<16xf32>, vector<16xi1>
        %mul3A_314 = arith.constant 8 : i32
        %mul3A_315 = arith.muli %scan3A_224, %mul3A_314 : i32
        %add3A_316 = arith.constant 7 : i32
        %add3A_317 = arith.addi %mul3A_315, %add3A_316 : i32
        %broadcast_in_dim3A_318 = arith.constant 0 : i32
        %broadcast_in_dim3A_319 = vector.broadcast %broadcast_in_dim3A_318 : i32 to vector<16xi32>
        %add3A_320 = vector.broadcast %add3A_317 : i32 to vector<16xi32>
        %add3A_321 = arith.addi %broadcast_in_dim3A_319, %add3A_320 : vector<16xi32>
        %gather3A_322 = tpu.vector_load_idx %arg11[%add3A_321] : memref<80xi32, #tpu.memory_space<vmem>>[vector<16xi32>], vector<16xi32>,
        %gather3A_323 = tpu.vector_load_idx %arg12[%add3A_321] : memref<80xi32, #tpu.memory_space<vmem>>[vector<16xi32>], vector<16xi32>,
        %gather3A_324 = tpu.vector_load_idx %arg10[%gather3A_322, %min3A_4] : memref<10000x4xf32, #tpu.memory_space<vmem>>[vector<16xi32>, vector<16xi32>], vector<16xf32>,
        %gather3A_325 = tpu.vector_load_idx %arg10[%gather3A_323, %min3A_4] : memref<10000x4xf32, #tpu.memory_space<vmem>>[vector<16xi32>, vector<16xi32>], vector<16xf32>,
        %sub3A_326 = arith.subf %gather3A_324, %gather3A_325 : vector<16xf32>
        tpu.vector_store_idx %arg15[%min3A_4, %add3A_321], %sub3A_326 masked %lt3A_6 : memref<8x80xf32, #tpu.memory_space<vmem>>[vector<16xi32>, vector<16xi32>], vector<16xf32>, vector<16xi1>
      }
      %scan3A_193 = arith.constant 10 : i32
      %dma_wait3A_194 = arith.constant 0 : i32
      %dma_wait3A_195 = arith.constant 0 : i32
      %dma_wait3A_196 = tpu.memref_slice %arg4[%dma_wait3A_194, %dma_wait3A_195] : memref<10000x128xf32, #tpu.memory_space<hbm>> -> memref<10000x128xf32, #tpu.memory_space<hbm>>
      tpu.wait_indirect_dma semaphore(%arg16 : memref<!tpu.dma_semaphore, #tpu.memory_space<semaphore_mem>>) src(%dma_wait3A_196 : memref<10000x128xf32, #tpu.memory_space<hbm>>) dst(%arg13 : memref<80x128xf32, #tpu.memory_space<vmem>>)
      %dma_wait3A_197 = arith.constant 0 : i32
      %dma_wait3A_198 = arith.constant 0 : i32
      %dma_wait3A_199 = tpu.memref_slice %arg5[%dma_wait3A_197, %dma_wait3A_198] : memref<10000x128xf32, #tpu.memory_space<hbm>> -> memref<10000x128xf32, #tpu.memory_space<hbm>>
      tpu.wait_indirect_dma semaphore(%arg17 : memref<!tpu.dma_semaphore, #tpu.memory_space<semaphore_mem>>) src(%dma_wait3A_199 : memref<10000x128xf32, #tpu.memory_space<hbm>>) dst(%arg14 : memref<80x128xf32, #tpu.memory_space<vmem>>)
      %dma_start3A_200 = arith.constant 0 : i32
      %dma_start3A_201 = tpu.memref_slice %arg7[%add3A_175, %dma_start3A_200] : memref<320000x128xf32, #tpu.memory_space<hbm>> -> memref<80x128xf32, #tpu.memory_space<hbm>>
      %dma_start3A_202 = arith.constant 0 : i32
      %dma_start3A_203 = tpu.memref_slice %arg7[%add3A_175, %dma_start3A_202] : memref<320000x128xf32, #tpu.memory_space<hbm>> -> memref<80x128xf32, #tpu.memory_space<hbm>>
      tpu.enqueue_dma source(%arg13 : memref<80x128xf32, #tpu.memory_space<vmem>>) target(%dma_start3A_203 : memref<80x128xf32, #tpu.memory_space<hbm>>) target_semaphore(%arg20 : memref<!tpu.dma_semaphore, #tpu.memory_space<semaphore_mem>>)
      %dma_start3A_204 = arith.constant 0 : i32
      %dma_start3A_205 = tpu.memref_slice %arg8[%add3A_175, %dma_start3A_204] : memref<320000x128xf32, #tpu.memory_space<hbm>> -> memref<80x128xf32, #tpu.memory_space<hbm>>
      %dma_start3A_206 = arith.constant 0 : i32
      %dma_start3A_207 = tpu.memref_slice %arg8[%add3A_175, %dma_start3A_206] : memref<320000x128xf32, #tpu.memory_space<hbm>> -> memref<80x128xf32, #tpu.memory_space<hbm>>
      tpu.enqueue_dma source(%arg14 : memref<80x128xf32, #tpu.memory_space<vmem>>) target(%dma_start3A_207 : memref<80x128xf32, #tpu.memory_space<hbm>>) target_semaphore(%arg21 : memref<!tpu.dma_semaphore, #tpu.memory_space<semaphore_mem>>)
      %dma_start3A_208 = arith.constant 0 : i32
      %dma_start3A_209 = tpu.memref_slice %arg9[%dma_start3A_208, %add3A_175] : memref<8x320000xf32, #tpu.memory_space<hbm>> -> memref<8x80xf32, #tpu.memory_space<hbm>>
      %dma_start3A_210 = arith.constant 0 : i32
      %dma_start3A_211 = tpu.memref_slice %arg9[%dma_start3A_210, %add3A_175] : memref<8x320000xf32, #tpu.memory_space<hbm>> -> memref<8x80xf32, #tpu.memory_space<hbm>>
      tpu.enqueue_dma source(%arg15 : memref<8x80xf32, #tpu.memory_space<vmem>>) target(%dma_start3A_211 : memref<8x80xf32, #tpu.memory_space<hbm>>) target_semaphore(%arg22 : memref<!tpu.dma_semaphore, #tpu.memory_space<semaphore_mem>>)
      %dma_wait3A_212 = arith.constant 0 : i32
      %dma_wait3A_213 = tpu.memref_slice %arg7[%add3A_175, %dma_wait3A_212] : memref<320000x128xf32, #tpu.memory_space<hbm>> -> memref<80x128xf32, #tpu.memory_space<hbm>>
      %dma_wait3A_214 = arith.constant 0 : i32
      %dma_wait3A_215 = tpu.memref_slice %arg7[%add3A_175, %dma_wait3A_214] : memref<320000x128xf32, #tpu.memory_space<hbm>> -> memref<80x128xf32, #tpu.memory_space<hbm>>
      tpu.wait_dma2 semaphore(%arg20 : memref<!tpu.dma_semaphore, #tpu.memory_space<semaphore_mem>>) src(%arg13 : memref<80x128xf32, #tpu.memory_space<vmem>>) dst(%dma_wait3A_215 : memref<80x128xf32, #tpu.memory_space<hbm>>)
      %dma_wait3A_216 = arith.constant 0 : i32
      %dma_wait3A_217 = tpu.memref_slice %arg8[%add3A_175, %dma_wait3A_216] : memref<320000x128xf32, #tpu.memory_space<hbm>> -> memref<80x128xf32, #tpu.memory_space<hbm>>
      %dma_wait3A_218 = arith.constant 0 : i32
      %dma_wait3A_219 = tpu.memref_slice %arg8[%add3A_175, %dma_wait3A_218] : memref<320000x128xf32, #tpu.memory_space<hbm>> -> memref<80x128xf32, #tpu.memory_space<hbm>>
      tpu.wait_dma2 semaphore(%arg21 : memref<!tpu.dma_semaphore, #tpu.memory_space<semaphore_mem>>) src(%arg14 : memref<80x128xf32, #tpu.memory_space<vmem>>) dst(%dma_wait3A_219 : memref<80x128xf32, #tpu.memory_space<hbm>>)
      %dma_wait3A_220 = arith.constant 0 : i32
      %dma_wait3A_221 = tpu.memref_slice %arg9[%dma_wait3A_220, %add3A_175] : memref<8x320000xf32, #tpu.memory_space<hbm>> -> memref<8x80xf32, #tpu.memory_space<hbm>>
      %dma_wait3A_222 = arith.constant 0 : i32
      %dma_wait3A_223 = tpu.memref_slice %arg9[%dma_wait3A_222, %add3A_175] : memref<8x320000xf32, #tpu.memory_space<hbm>> -> memref<8x80xf32, #tpu.memory_space<hbm>>
      tpu.wait_dma2 semaphore(%arg22 : memref<!tpu.dma_semaphore, #tpu.memory_space<semaphore_mem>>) src(%arg15 : memref<8x80xf32, #tpu.memory_space<vmem>>) dst(%dma_wait3A_223 : memref<8x80xf32, #tpu.memory_space<hbm>>)
    }
    %scan3A_171 = arith.constant 125 : i32
    return
  }
}

module attributes {stable_mosaic.version = 14 : i64} {
  func.func @_stage1a(%arg0: i32, %arg1: memref<1000x3xf32, #tpu.memory_space<vmem>>, %arg2: memref<1000x3xf32, #tpu.memory_space<vmem>>, %arg3: memref<1000x1xi32, #tpu.memory_space<vmem>>, %arg4: memref<1000x1xi32, #tpu.memory_space<vmem>>, %arg5: memref<1000x3xf32, #tpu.memory_space<vmem>>, %arg6: memref<256x8xf32, #tpu.memory_space<vmem>>, %arg7: memref<1000x4xf32, #tpu.memory_space<vmem>>) attributes {dimension_semantics = [#tpu.dimension_semantics<arbitrary>], iteration_bounds = array<i64: 10>, scalar_prefetch = 0 : i64, scratch_operands = 0 : i64, tpu.core_type = #tpu.core_type<tc>, window_params = [{transform_indices = @transform_0, window_bounds = array<i64: 1000, 3>}, {transform_indices = @transform_1, window_bounds = array<i64: 1000, 3>}, {transform_indices = @transform_2, window_bounds = array<i64: 1000, 1>}, {transform_indices = @transform_3, window_bounds = array<i64: 1000, 1>}, {pipeline_mode = #tpu.pipeline_mode<synchronous>, transform_indices = @transform_4, window_bounds = array<i64: 1000, 3>}, {pipeline_mode = #tpu.pipeline_mode<synchronous>, transform_indices = @transform_5, window_bounds = array<i64: 256, 8>}, {transform_indices = @transform_6, window_bounds = array<i64: 1000, 4>}]} {
    %get3A = arith.constant 0 : index
    %get3A_0 = arith.constant 0 : index
    %get3A_1 = vector.load %arg4[%get3A, %get3A_0] : memref<1000x1xi32, #tpu.memory_space<vmem>>, vector<1000x1xi32>
    %iota3A = tpu.iota {dimensions = array<i32: 1>} : vector<1000x1000xi32>
    %eq3A = vector.broadcast %get3A_1 : vector<1000x1xi32> to vector<1000x1000xi32>
    %eq3A_2 = arith.cmpi eq, %eq3A, %iota3A : vector<1000x1000xi32>
    %convert_element_type3A = arith.extui %eq3A_2 : vector<1000x1000xi1> to vector<1000x1000xi32>
    %convert_element_type3A_3 = arith.sitofp %convert_element_type3A : vector<1000x1000xi32> to vector<1000x1000xf32>
    %get3A_4 = arith.constant 0 : index
    %get3A_5 = arith.constant 0 : index
    %get3A_6 = vector.load %arg5[%get3A_4, %get3A_5] : memref<1000x3xf32, #tpu.memory_space<vmem>>, vector<1000x3xf32>
    %dot_general3A = arith.constant dense<0.000000e+00> : vector<1000x3xf32>
    %dot_general3A_7 = tpu.matmul %convert_element_type3A_3, %get3A_6, %dot_general3A {dimension_numbers = #tpu.dot_dimension_numbers<[1], [0], [0], [1], [0, 0, 1, 1], [], []>, transpose_lhs_hint = false} : vector<1000x1000xf32>, vector<1000x3xf32>, vector<1000x3xf32> -> vector<1000x3xf32>
    %slice3A = vector.extract_strided_slice %dot_general3A_7 {offsets = [0, 0], sizes = [1000, 1], strides = [1, 1]} : vector<1000x3xf32> to vector<1000x1xf32>
    %slice3A_8 = vector.extract_strided_slice %dot_general3A_7 {offsets = [0, 1], sizes = [1000, 1], strides = [1, 1]} : vector<1000x3xf32> to vector<1000x1xf32>
    %broadcast_in_dim3A = arith.constant 0.000000e+00 : f32
    %broadcast_in_dim3A_9 = vector.broadcast %broadcast_in_dim3A : f32 to vector<1000x1xf32>
    %concatenate3A = tpu.concatenate %dot_general3A_7, %broadcast_in_dim3A_9 in 1 : vector<1000x3xf32>, vector<1000x1xf32> -> vector<1000x4xf32>
    %swap3A = arith.constant 0 : index
    %swap3A_10 = arith.constant 0 : index
    %swap3A_11 = vector.load %arg7[%swap3A, %swap3A_10] : memref<1000x4xf32, #tpu.memory_space<vmem>>, vector<1000x4xf32>
    tpu.vector_store %arg7[%swap3A, %swap3A_10], %concatenate3A {strides = array<i32>} : memref<1000x4xf32, #tpu.memory_space<vmem>>, vector<1000x4xf32>,
    %get3A_12 = arith.constant 0 : index
    %get3A_13 = arith.constant 0 : index
    %get3A_14 = vector.load %arg1[%get3A_12, %get3A_13] : memref<1000x3xf32, #tpu.memory_space<vmem>>, vector<1000x3xf32>
    %mul3A = vector.broadcast %slice3A : vector<1000x1xf32> to vector<1000x3xf32>
    %mul3A_15 = arith.mulf %mul3A, %get3A_14 : vector<1000x3xf32>
    %get3A_16 = arith.constant 0 : index
    %get3A_17 = arith.constant 0 : index
    %get3A_18 = vector.load %arg2[%get3A_16, %get3A_17] : memref<1000x3xf32, #tpu.memory_space<vmem>>, vector<1000x3xf32>
    %mul3A_19 = vector.broadcast %slice3A_8 : vector<1000x1xf32> to vector<1000x3xf32>
    %mul3A_20 = arith.mulf %mul3A_19, %get3A_18 : vector<1000x3xf32>
    %add3A = arith.addf %mul3A_15, %mul3A_20 : vector<1000x3xf32>
    %get3A_21 = arith.constant 0 : index
    %get3A_22 = arith.constant 0 : index
    %get3A_23 = vector.load %arg3[%get3A_21, %get3A_22] : memref<1000x1xi32, #tpu.memory_space<vmem>>, vector<1000x1xi32>
    %iota3A_24 = tpu.iota {dimensions = array<i32: 1>} : vector<1000x256xi32>
    %eq3A_25 = vector.broadcast %get3A_23 : vector<1000x1xi32> to vector<1000x256xi32>
    %eq3A_26 = arith.cmpi eq, %eq3A_25, %iota3A_24 : vector<1000x256xi32>
    %convert_element_type3A_27 = arith.extui %eq3A_26 : vector<1000x256xi1> to vector<1000x256xi32>
    %convert_element_type3A_28 = arith.sitofp %convert_element_type3A_27 : vector<1000x256xi32> to vector<1000x256xf32>
    %get3A_29 = arith.constant 0 : index
    %get3A_30 = arith.constant 0 : index
    %get3A_31 = vector.load %arg2[%get3A_29, %get3A_30] : memref<1000x3xf32, #tpu.memory_space<vmem>>, vector<1000x3xf32>
    %broadcast_in_dim3A_32 = arith.constant 1.000000e+00 : f32
    %broadcast_in_dim3A_33 = vector.broadcast %broadcast_in_dim3A_32 : f32 to vector<1000x1xf32>
    %concatenate3A_34 = tpu.concatenate %get3A_31, %add3A, %slice3A_8, %broadcast_in_dim3A_33 in 1 : vector<1000x3xf32>, vector<1000x3xf32>, vector<1000x1xf32>, vector<1000x1xf32> -> vector<1000x8xf32>
    %dot_general3A_35 = arith.constant dense<0.000000e+00> : vector<256x8xf32>
    %dot_general3A_36 = tpu.matmul %convert_element_type3A_28, %concatenate3A_34, %dot_general3A_35 {dimension_numbers = #tpu.dot_dimension_numbers<[0], [0], [1], [1], [0, 1, 1, 1], [], []>, transpose_lhs_hint = false} : vector<1000x256xf32>, vector<1000x8xf32>, vector<256x8xf32> -> vector<256x8xf32>
    %eq3A_37 = arith.constant 0 : i32
    %eq3A_38 = arith.cmpi eq, %arg0, %eq3A_37 : i32
    %convert_element_type3A_39 = arith.extui %eq3A_38 : i1 to i32
    %cond3A = arith.constant 0 : i32
    %cond3A_40 = arith.cmpi ne, %convert_element_type3A_39, %cond3A : i32
    scf.if %cond3A_40 {
      %broadcast_in_dim3A_48 = arith.constant 0.000000e+00 : f32
      %broadcast_in_dim3A_49 = vector.broadcast %broadcast_in_dim3A_48 : f32 to vector<256x8xf32>
      %swap3A_50 = arith.constant 0 : index
      %swap3A_51 = arith.constant 0 : index
      %swap3A_52 = vector.load %arg6[%swap3A_50, %swap3A_51] : memref<256x8xf32, #tpu.memory_space<vmem>>, vector<256x8xf32>
      tpu.vector_store %arg6[%swap3A_50, %swap3A_51], %broadcast_in_dim3A_49 {strides = array<i32>} : memref<256x8xf32, #tpu.memory_space<vmem>>, vector<256x8xf32>,
    } else {
    }
    %get3A_41 = arith.constant 0 : index
    %get3A_42 = arith.constant 0 : index
    %get3A_43 = vector.load %arg6[%get3A_41, %get3A_42] : memref<256x8xf32, #tpu.memory_space<vmem>>, vector<256x8xf32>
    %add3A_44 = arith.addf %get3A_43, %dot_general3A_36 : vector<256x8xf32>
    %swap3A_45 = arith.constant 0 : index
    %swap3A_46 = arith.constant 0 : index
    %swap3A_47 = vector.load %arg6[%swap3A_45, %swap3A_46] : memref<256x8xf32, #tpu.memory_space<vmem>>, vector<256x8xf32>
    tpu.vector_store %arg6[%swap3A_45, %swap3A_46], %add3A_44 {strides = array<i32>} : memref<256x8xf32, #tpu.memory_space<vmem>>, vector<256x8xf32>,
    return
  }
  func.func @transform_0(%arg0: i32) -> (i32, i32) {
    %c0_i32 = arith.constant 0 : i32
    %c0_i32_0 = arith.constant 0 : i32
    return %arg0, %c0_i32 : i32, i32
  }
  func.func @transform_1(%arg0: i32) -> (i32, i32) {
    %c0_i32 = arith.constant 0 : i32
    %c0_i32_0 = arith.constant 0 : i32
    return %arg0, %c0_i32 : i32, i32
  }
  func.func @transform_2(%arg0: i32) -> (i32, i32) {
    %c0_i32 = arith.constant 0 : i32
    %c0_i32_0 = arith.constant 0 : i32
    return %arg0, %c0_i32 : i32, i32
  }
  func.func @transform_3(%arg0: i32) -> (i32, i32) {
    %c0_i32 = arith.constant 0 : i32
    %c0_i32_0 = arith.constant 0 : i32
    return %arg0, %c0_i32 : i32, i32
  }
  func.func @transform_4(%arg0: i32) -> (i32, i32) {
    %c0_i32 = arith.constant 0 : i32
    %c0_i32_0 = arith.constant 0 : i32
    %c0_i32_1 = arith.constant 0 : i32
    return %c0_i32, %c0_i32_0 : i32, i32
  }
  func.func @transform_5(%arg0: i32) -> (i32, i32) {
    %c0_i32 = arith.constant 0 : i32
    %c0_i32_0 = arith.constant 0 : i32
    %c0_i32_1 = arith.constant 0 : i32
    return %c0_i32, %c0_i32_0 : i32, i32
  }
  func.func @transform_6(%arg0: i32) -> (i32, i32) {
    %c0_i32 = arith.constant 0 : i32
    %c0_i32_0 = arith.constant 0 : i32
    return %arg0, %c0_i32 : i32, i32
  }
}

module attributes {stable_mosaic.version = 14 : i64} {
  func.func @_stage1b(%arg0: i32, %arg1: memref<1000x3xf32, #tpu.memory_space<vmem>>, %arg2: memref<1000x3xf32, #tpu.memory_space<vmem>>, %arg3: memref<1000x128xf32, #tpu.memory_space<vmem>>, %arg4: memref<1000x1xi32, #tpu.memory_space<vmem>>, %arg5: memref<1000x4xf32, #tpu.memory_space<vmem>>, %arg6: memref<256x8xf32, #tpu.memory_space<vmem>>, %arg7: memref<128x128xf32, #tpu.memory_space<vmem>>, %arg8: memref<128x128xf32, #tpu.memory_space<vmem>>, %arg9: memref<1000x128xf32, #tpu.memory_space<vmem>>, %arg10: memref<1000x128xf32, #tpu.memory_space<vmem>>, %arg11: memref<1000x4xf32, #tpu.memory_space<vmem>>, %arg12: memref<1000x4xf32, #tpu.memory_space<vmem>>) attributes {dimension_semantics = [#tpu.dimension_semantics<arbitrary>], iteration_bounds = array<i64: 10>, scalar_prefetch = 0 : i64, scratch_operands = 0 : i64, tpu.core_type = #tpu.core_type<tc>, window_params = [{transform_indices = @transform_0, window_bounds = array<i64: 1000, 3>}, {transform_indices = @transform_1, window_bounds = array<i64: 1000, 3>}, {transform_indices = @transform_2, window_bounds = array<i64: 1000, 128>}, {transform_indices = @transform_3, window_bounds = array<i64: 1000, 1>}, {transform_indices = @transform_4, window_bounds = array<i64: 1000, 4>}, {pipeline_mode = #tpu.pipeline_mode<synchronous>, transform_indices = @transform_5, window_bounds = array<i64: 256, 8>}, {pipeline_mode = #tpu.pipeline_mode<synchronous>, transform_indices = @transform_6, window_bounds = array<i64: 128, 128>}, {pipeline_mode = #tpu.pipeline_mode<synchronous>, transform_indices = @transform_7, window_bounds = array<i64: 128, 128>}, {transform_indices = @transform_8, window_bounds = array<i64: 1000, 128>}, {transform_indices = @transform_9, window_bounds = array<i64: 1000, 128>}, {transform_indices = @transform_10, window_bounds = array<i64: 1000, 4>}, {transform_indices = @transform_11, window_bounds = array<i64: 1000, 4>}]} {
    %get3A = arith.constant 0 : index
    %get3A_0 = arith.constant 0 : index
    %get3A_1 = vector.load %arg6[%get3A, %get3A_0] : memref<256x8xf32, #tpu.memory_space<vmem>>, vector<256x8xf32>
    %slice3A = vector.extract_strided_slice %get3A_1 {offsets = [0, 7], sizes = [256, 1], strides = [1, 1]} : vector<256x8xf32> to vector<256x1xf32>
    %max3A = arith.constant 1.000000e+00 : f32
    %max3A_2 = vector.broadcast %max3A : f32 to vector<256x1xf32>
    %max3A_3 = arith.maximumf %slice3A, %max3A_2 : vector<256x1xf32>
    %slice3A_4 = vector.extract_strided_slice %get3A_1 {offsets = [0, 0], sizes = [256, 3], strides = [1, 1]} : vector<256x8xf32> to vector<256x3xf32>
    %div3A = vector.broadcast %max3A_3 : vector<256x1xf32> to vector<256x3xf32>
    %div3A_5 = arith.divf %slice3A_4, %div3A : vector<256x3xf32>
    %slice3A_6 = vector.extract_strided_slice %get3A_1 {offsets = [0, 3], sizes = [256, 3], strides = [1, 1]} : vector<256x8xf32> to vector<256x3xf32>
    %slice3A_7 = vector.extract_strided_slice %get3A_1 {offsets = [0, 6], sizes = [256, 1], strides = [1, 1]} : vector<256x8xf32> to vector<256x1xf32>
    %mul3A = vector.broadcast %slice3A_7 : vector<256x1xf32> to vector<256x3xf32>
    %mul3A_8 = arith.mulf %mul3A, %div3A_5 : vector<256x3xf32>
    %sub3A = arith.subf %slice3A_6, %mul3A_8 : vector<256x3xf32>
    %div3A_9 = vector.broadcast %max3A_3 : vector<256x1xf32> to vector<256x3xf32>
    %div3A_10 = arith.divf %sub3A, %div3A_9 : vector<256x3xf32>
    %concatenate3A = tpu.concatenate %div3A_5, %div3A_10 in 1 : vector<256x3xf32>, vector<256x3xf32> -> vector<256x6xf32>
    %get3A_11 = arith.constant 0 : index
    %get3A_12 = arith.constant 0 : index
    %get3A_13 = vector.load %arg4[%get3A_11, %get3A_12] : memref<1000x1xi32, #tpu.memory_space<vmem>>, vector<1000x1xi32>
    %iota3A = tpu.iota {dimensions = array<i32: 1>} : vector<1000x256xi32>
    %eq3A = vector.broadcast %get3A_13 : vector<1000x1xi32> to vector<1000x256xi32>
    %eq3A_14 = arith.cmpi eq, %eq3A, %iota3A : vector<1000x256xi32>
    %convert_element_type3A = arith.extui %eq3A_14 : vector<1000x256xi1> to vector<1000x256xi32>
    %convert_element_type3A_15 = arith.sitofp %convert_element_type3A : vector<1000x256xi32> to vector<1000x256xf32>
    %dot_general3A = arith.constant dense<0.000000e+00> : vector<1000x6xf32>
    %dot_general3A_16 = tpu.matmul %convert_element_type3A_15, %concatenate3A, %dot_general3A {dimension_numbers = #tpu.dot_dimension_numbers<[1], [0], [0], [1], [0, 0, 1, 1], [], []>, transpose_lhs_hint = false} : vector<1000x256xf32>, vector<256x6xf32>, vector<1000x6xf32> -> vector<1000x6xf32>
    %get3A_17 = arith.constant 0 : index
    %get3A_18 = arith.constant 0 : index
    %get3A_19 = vector.load %arg5[%get3A_17, %get3A_18] : memref<1000x4xf32, #tpu.memory_space<vmem>>, vector<1000x4xf32>
    %slice3A_20 = vector.extract_strided_slice %get3A_19 {offsets = [0, 0], sizes = [1000, 1], strides = [1, 1]} : vector<1000x4xf32> to vector<1000x1xf32>
    %slice3A_21 = vector.extract_strided_slice %get3A_19 {offsets = [0, 1], sizes = [1000, 1], strides = [1, 1]} : vector<1000x4xf32> to vector<1000x1xf32>
    %slice3A_22 = vector.extract_strided_slice %get3A_19 {offsets = [0, 2], sizes = [1000, 1], strides = [1, 1]} : vector<1000x4xf32> to vector<1000x1xf32>
    %get3A_23 = arith.constant 0 : index
    %get3A_24 = arith.constant 0 : index
    %get3A_25 = vector.load %arg1[%get3A_23, %get3A_24] : memref<1000x3xf32, #tpu.memory_space<vmem>>, vector<1000x3xf32>
    %mul3A_26 = vector.broadcast %slice3A_20 : vector<1000x1xf32> to vector<1000x3xf32>
    %mul3A_27 = arith.mulf %mul3A_26, %get3A_25 : vector<1000x3xf32>
    %get3A_28 = arith.constant 0 : index
    %get3A_29 = arith.constant 0 : index
    %get3A_30 = vector.load %arg2[%get3A_28, %get3A_29] : memref<1000x3xf32, #tpu.memory_space<vmem>>, vector<1000x3xf32>
    %mul3A_31 = vector.broadcast %slice3A_21 : vector<1000x1xf32> to vector<1000x3xf32>
    %mul3A_32 = arith.mulf %mul3A_31, %get3A_30 : vector<1000x3xf32>
    %add3A = arith.addf %mul3A_27, %mul3A_32 : vector<1000x3xf32>
    %slice3A_33 = vector.extract_strided_slice %dot_general3A_16 {offsets = [0, 0], sizes = [1000, 3], strides = [1, 1]} : vector<1000x6xf32> to vector<1000x3xf32>
    %mul3A_34 = vector.broadcast %slice3A_21 : vector<1000x1xf32> to vector<1000x3xf32>
    %mul3A_35 = arith.mulf %mul3A_34, %slice3A_33 : vector<1000x3xf32>
    %sub3A_36 = arith.subf %add3A, %mul3A_35 : vector<1000x3xf32>
    %slice3A_37 = vector.extract_strided_slice %dot_general3A_16 {offsets = [0, 3], sizes = [1000, 3], strides = [1, 1]} : vector<1000x6xf32> to vector<1000x3xf32>
    %sub3A_38 = arith.subf %sub3A_36, %slice3A_37 : vector<1000x3xf32>
    %sub3A_39 = arith.subf %sub3A_38, %get3A_25 : vector<1000x3xf32>
    %div3A_40 = vector.broadcast %slice3A_22 : vector<1000x1xf32> to vector<1000x3xf32>
    %div3A_41 = arith.divf %sub3A_39, %div3A_40 : vector<1000x3xf32>
    %broadcast_in_dim3A = arith.constant 0.000000e+00 : f32
    %broadcast_in_dim3A_42 = vector.broadcast %broadcast_in_dim3A : f32 to vector<1000x1xf32>
    %concatenate3A_43 = tpu.concatenate %sub3A_38, %broadcast_in_dim3A_42 in 1 : vector<1000x3xf32>, vector<1000x1xf32> -> vector<1000x4xf32>
    %swap3A = arith.constant 0 : index
    %swap3A_44 = arith.constant 0 : index
    %swap3A_45 = vector.load %arg11[%swap3A, %swap3A_44] : memref<1000x4xf32, #tpu.memory_space<vmem>>, vector<1000x4xf32>
    tpu.vector_store %arg11[%swap3A, %swap3A_44], %concatenate3A_43 {strides = array<i32>} : memref<1000x4xf32, #tpu.memory_space<vmem>>, vector<1000x4xf32>,
    %concatenate3A_46 = tpu.concatenate %div3A_41, %broadcast_in_dim3A_42 in 1 : vector<1000x3xf32>, vector<1000x1xf32> -> vector<1000x4xf32>
    %swap3A_47 = arith.constant 0 : index
    %swap3A_48 = arith.constant 0 : index
    %swap3A_49 = vector.load %arg12[%swap3A_47, %swap3A_48] : memref<1000x4xf32, #tpu.memory_space<vmem>>, vector<1000x4xf32>
    tpu.vector_store %arg12[%swap3A_47, %swap3A_48], %concatenate3A_46 {strides = array<i32>} : memref<1000x4xf32, #tpu.memory_space<vmem>>, vector<1000x4xf32>,
    %get3A_50 = arith.constant 0 : index
    %get3A_51 = arith.constant 0 : index
    %get3A_52 = vector.load %arg3[%get3A_50, %get3A_51] : memref<1000x128xf32, #tpu.memory_space<vmem>>, vector<1000x128xf32>
    %get3A_53 = arith.constant 0 : index
    %get3A_54 = arith.constant 0 : index
    %get3A_55 = vector.load %arg7[%get3A_53, %get3A_54] : memref<128x128xf32, #tpu.memory_space<vmem>>, vector<128x128xf32>
    %dot_general3A_56 = arith.constant dense<0.000000e+00> : vector<1000x128xf32>
    %dot_general3A_57 = tpu.matmul %get3A_52, %get3A_55, %dot_general3A_56 {dimension_numbers = #tpu.dot_dimension_numbers<[1], [0], [0], [1], [0, 0, 1, 1], [], []>, transpose_lhs_hint = false} : vector<1000x128xf32>, vector<128x128xf32>, vector<1000x128xf32> -> vector<1000x128xf32>
    %swap3A_58 = arith.constant 0 : index
    %swap3A_59 = arith.constant 0 : index
    %swap3A_60 = vector.load %arg9[%swap3A_58, %swap3A_59] : memref<1000x128xf32, #tpu.memory_space<vmem>>, vector<1000x128xf32>
    tpu.vector_store %arg9[%swap3A_58, %swap3A_59], %dot_general3A_57 {strides = array<i32>} : memref<1000x128xf32, #tpu.memory_space<vmem>>, vector<1000x128xf32>,
    %get3A_61 = arith.constant 0 : index
    %get3A_62 = arith.constant 0 : index
    %get3A_63 = vector.load %arg8[%get3A_61, %get3A_62] : memref<128x128xf32, #tpu.memory_space<vmem>>, vector<128x128xf32>
    %dot_general3A_64 = arith.constant dense<0.000000e+00> : vector<1000x128xf32>
    %dot_general3A_65 = tpu.matmul %get3A_52, %get3A_63, %dot_general3A_64 {dimension_numbers = #tpu.dot_dimension_numbers<[1], [0], [0], [1], [0, 0, 1, 1], [], []>, transpose_lhs_hint = false} : vector<1000x128xf32>, vector<128x128xf32>, vector<1000x128xf32> -> vector<1000x128xf32>
    %swap3A_66 = arith.constant 0 : index
    %swap3A_67 = arith.constant 0 : index
    %swap3A_68 = vector.load %arg10[%swap3A_66, %swap3A_67] : memref<1000x128xf32, #tpu.memory_space<vmem>>, vector<1000x128xf32>
    tpu.vector_store %arg10[%swap3A_66, %swap3A_67], %dot_general3A_65 {strides = array<i32>} : memref<1000x128xf32, #tpu.memory_space<vmem>>, vector<1000x128xf32>,
    return
  }
  func.func @transform_0(%arg0: i32) -> (i32, i32) {
    %c0_i32 = arith.constant 0 : i32
    %c0_i32_0 = arith.constant 0 : i32
    return %arg0, %c0_i32 : i32, i32
  }
  func.func @transform_1(%arg0: i32) -> (i32, i32) {
    %c0_i32 = arith.constant 0 : i32
    %c0_i32_0 = arith.constant 0 : i32
    return %arg0, %c0_i32 : i32, i32
  }
  func.func @transform_2(%arg0: i32) -> (i32, i32) {
    %c0_i32 = arith.constant 0 : i32
    %c0_i32_0 = arith.constant 0 : i32
    return %arg0, %c0_i32 : i32, i32
  }
  func.func @transform_3(%arg0: i32) -> (i32, i32) {
    %c0_i32 = arith.constant 0 : i32
    %c0_i32_0 = arith.constant 0 : i32
    return %arg0, %c0_i32 : i32, i32
  }
  func.func @transform_4(%arg0: i32) -> (i32, i32) {
    %c0_i32 = arith.constant 0 : i32
    %c0_i32_0 = arith.constant 0 : i32
    return %arg0, %c0_i32 : i32, i32
  }
  func.func @transform_5(%arg0: i32) -> (i32, i32) {
    %c0_i32 = arith.constant 0 : i32
    %c0_i32_0 = arith.constant 0 : i32
    %c0_i32_1 = arith.constant 0 : i32
    return %c0_i32, %c0_i32_0 : i32, i32
  }
  func.func @transform_6(%arg0: i32) -> (i32, i32) {
    %c0_i32 = arith.constant 0 : i32
    %c0_i32_0 = arith.constant 0 : i32
    %c0_i32_1 = arith.constant 0 : i32
    return %c0_i32, %c0_i32_0 : i32, i32
  }
  func.func @transform_7(%arg0: i32) -> (i32, i32) {
    %c0_i32 = arith.constant 0 : i32
    %c0_i32_0 = arith.constant 0 : i32
    %c0_i32_1 = arith.constant 0 : i32
    return %c0_i32, %c0_i32_0 : i32, i32
  }
  func.func @transform_8(%arg0: i32) -> (i32, i32) {
    %c0_i32 = arith.constant 0 : i32
    %c0_i32_0 = arith.constant 0 : i32
    return %arg0, %c0_i32 : i32, i32
  }
  func.func @transform_9(%arg0: i32) -> (i32, i32) {
    %c0_i32 = arith.constant 0 : i32
    %c0_i32_0 = arith.constant 0 : i32
    return %arg0, %c0_i32 : i32, i32
  }
  func.func @transform_10(%arg0: i32) -> (i32, i32) {
    %c0_i32 = arith.constant 0 : i32
    %c0_i32_0 = arith.constant 0 : i32
    return %arg0, %c0_i32 : i32, i32
  }
  func.func @transform_11(%arg0: i32) -> (i32, i32) {
    %c0_i32 = arith.constant 0 : i32
    %c0_i32_0 = arith.constant 0 : i32
    return %arg0, %c0_i32 : i32, i32
  }
}

module attributes {stable_mosaic.version = 14 : i64} {
  func.func @_stage3(%arg0: i32, %arg1: memref<3200x128xf32, #tpu.memory_space<vmem>>, %arg2: memref<3200x128xf32, #tpu.memory_space<vmem>>, %arg3: memref<8x3200xf32, #tpu.memory_space<vmem>>, %arg4: memref<1x128xf32, #tpu.memory_space<vmem>>, %arg5: memref<1x128xf32, #tpu.memory_space<vmem>>, %arg6: memref<128x128xf32, #tpu.memory_space<vmem>>, %arg7: memref<1x128xf32, #tpu.memory_space<vmem>>, %arg8: memref<1x128xf32, #tpu.memory_space<vmem>>, %arg9: memref<3200x128xf32, #tpu.memory_space<vmem>>, %arg10: memref<8x3200xf32, #tpu.memory_space<vmem>>) attributes {dimension_semantics = [#tpu.dimension_semantics<arbitrary>], iteration_bounds = array<i64: 100>, scalar_prefetch = 0 : i64, scratch_operands = 0 : i64, tpu.core_type = #tpu.core_type<tc>, window_params = [{transform_indices = @transform_0, window_bounds = array<i64: 3200, 128>}, {transform_indices = @transform_1, window_bounds = array<i64: 3200, 128>}, {transform_indices = @transform_2, window_bounds = array<i64: 8, 3200>}, {pipeline_mode = #tpu.pipeline_mode<synchronous>, transform_indices = @transform_3, window_bounds = array<i64: 1, 128>}, {pipeline_mode = #tpu.pipeline_mode<synchronous>, transform_indices = @transform_4, window_bounds = array<i64: 1, 128>}, {pipeline_mode = #tpu.pipeline_mode<synchronous>, transform_indices = @transform_5, window_bounds = array<i64: 128, 128>}, {pipeline_mode = #tpu.pipeline_mode<synchronous>, transform_indices = @transform_6, window_bounds = array<i64: 1, 128>}, {pipeline_mode = #tpu.pipeline_mode<synchronous>, transform_indices = @transform_7, window_bounds = array<i64: 1, 128>}, {transform_indices = @transform_8, window_bounds = array<i64: 3200, 128>}, {transform_indices = @transform_9, window_bounds = array<i64: 8, 3200>}]} {
    %get3A = arith.constant 0 : index
    %get3A_0 = arith.constant 0 : index
    %get3A_1 = vector.load %arg1[%get3A, %get3A_0] : memref<3200x128xf32, #tpu.memory_space<vmem>>, vector<3200x128xf32>
    %get3A_2 = arith.constant 0 : index
    %get3A_3 = arith.constant 0 : index
    %get3A_4 = vector.load %arg2[%get3A_2, %get3A_3] : memref<3200x128xf32, #tpu.memory_space<vmem>>, vector<3200x128xf32>
    %add3A = arith.addf %get3A_1, %get3A_4 : vector<3200x128xf32>
    %get3A_5 = arith.constant 0 : index
    %get3A_6 = arith.constant 0 : index
    %get3A_7 = vector.load %arg3[%get3A_5, %get3A_6] : memref<8x3200xf32, #tpu.memory_space<vmem>>, vector<8x3200xf32>
    %iota3A = tpu.iota {dimensions = array<i32: 0>} : vector<8x1xi32>
    %lt3A = arith.constant 3 : i32
    %lt3A_8 = vector.broadcast %lt3A : i32 to vector<8x1xi32>
    %lt3A_9 = arith.cmpi slt, %iota3A, %lt3A_8 : vector<8x1xi32>
    %convert_element_type3A = arith.extui %lt3A_9 : vector<8x1xi1> to vector<8x1xi32>
    %convert_element_type3A_10 = arith.sitofp %convert_element_type3A : vector<8x1xi32> to vector<8x1xf32>
    %mul3A = arith.mulf %get3A_7, %get3A_7 : vector<8x3200xf32>
    %dot_general3A = arith.constant dense<0.000000e+00> : vector<3200x1xf32>
    %dot_general3A_11 = tpu.matmul %mul3A, %convert_element_type3A_10, %dot_general3A {dimension_numbers = #tpu.dot_dimension_numbers<[0], [0], [1], [1], [0, 1, 1, 1], [], []>, transpose_lhs_hint = false} : vector<8x3200xf32>, vector<8x1xf32>, vector<3200x1xf32> -> vector<3200x1xf32>
    %get3A_12 = arith.constant 0 : index
    %get3A_13 = arith.constant 0 : index
    %get3A_14 = vector.load %arg4[%get3A_12, %get3A_13] : memref<1x128xf32, #tpu.memory_space<vmem>>, vector<1x128xf32>
    %mul3A_15 = vector.broadcast %dot_general3A_11 : vector<3200x1xf32> to vector<3200x128xf32>
    %mul3A_16 = vector.broadcast %get3A_14 : vector<1x128xf32> to vector<3200x128xf32>
    %mul3A_17 = arith.mulf %mul3A_15, %mul3A_16 : vector<3200x128xf32>
    %add3A_18 = arith.addf %add3A, %mul3A_17 : vector<3200x128xf32>
    %get3A_19 = arith.constant 0 : index
    %get3A_20 = arith.constant 0 : index
    %get3A_21 = vector.load %arg5[%get3A_19, %get3A_20] : memref<1x128xf32, #tpu.memory_space<vmem>>, vector<1x128xf32>
    %add3A_22 = vector.broadcast %get3A_21 : vector<1x128xf32> to vector<3200x128xf32>
    %add3A_23 = arith.addf %add3A_18, %add3A_22 : vector<3200x128xf32>
    %logistic3A = arith.negf %add3A_23 : vector<3200x128xf32>
    %logistic3A_24 = math.exp %logistic3A : vector<3200x128xf32>
    %logistic3A_25 = arith.constant 1.000000e+00 : f32
    %logistic3A_26 = vector.broadcast %logistic3A_25 : f32 to vector<3200x128xf32>
    %logistic3A_27 = arith.addf %logistic3A_26, %logistic3A_24 : vector<3200x128xf32>
    %logistic3A_28 = arith.divf %logistic3A_26, %logistic3A_27 : vector<3200x128xf32>
    %mul3A_29 = arith.mulf %add3A_23, %logistic3A_28 : vector<3200x128xf32>
    %get3A_30 = arith.constant 0 : index
    %get3A_31 = arith.constant 0 : index
    %get3A_32 = vector.load %arg6[%get3A_30, %get3A_31] : memref<128x128xf32, #tpu.memory_space<vmem>>, vector<128x128xf32>
    %dot_general3A_33 = arith.constant dense<0.000000e+00> : vector<3200x128xf32>
    %dot_general3A_34 = tpu.matmul %mul3A_29, %get3A_32, %dot_general3A_33 {dimension_numbers = #tpu.dot_dimension_numbers<[1], [0], [0], [1], [0, 0, 1, 1], [], []>, transpose_lhs_hint = false} : vector<3200x128xf32>, vector<128x128xf32>, vector<3200x128xf32> -> vector<3200x128xf32>
    %get3A_35 = arith.constant 0 : index
    %get3A_36 = arith.constant 0 : index
    %get3A_37 = vector.load %arg7[%get3A_35, %get3A_36] : memref<1x128xf32, #tpu.memory_space<vmem>>, vector<1x128xf32>
    %add3A_38 = vector.broadcast %get3A_37 : vector<1x128xf32> to vector<3200x128xf32>
    %add3A_39 = arith.addf %dot_general3A_34, %add3A_38 : vector<3200x128xf32>
    %logistic3A_40 = arith.negf %add3A_39 : vector<3200x128xf32>
    %logistic3A_41 = math.exp %logistic3A_40 : vector<3200x128xf32>
    %logistic3A_42 = arith.constant 1.000000e+00 : f32
    %logistic3A_43 = vector.broadcast %logistic3A_42 : f32 to vector<3200x128xf32>
    %logistic3A_44 = arith.addf %logistic3A_43, %logistic3A_41 : vector<3200x128xf32>
    %logistic3A_45 = arith.divf %logistic3A_43, %logistic3A_44 : vector<3200x128xf32>
    %mul3A_46 = arith.mulf %add3A_39, %logistic3A_45 : vector<3200x128xf32>
    %get3A_47 = arith.constant 0 : index
    %get3A_48 = arith.constant 0 : index
    %get3A_49 = vector.load %arg8[%get3A_47, %get3A_48] : memref<1x128xf32, #tpu.memory_space<vmem>>, vector<1x128xf32>
    %dot_general3A_50 = arith.constant dense<0.000000e+00> : vector<1x3200xf32>
    %dot_general3A_51 = tpu.matmul %get3A_49, %mul3A_46, %dot_general3A_50 {dimension_numbers = #tpu.dot_dimension_numbers<[1], [1], [0], [0], [0, 0, 1, 0], [], []>, transpose_lhs_hint = false} : vector<1x128xf32>, vector<3200x128xf32>, vector<1x3200xf32> -> vector<1x3200xf32>
    %tanh3A = math.tanh %dot_general3A_51 : vector<1x3200xf32>
    %swap3A = arith.constant 0 : index
    %swap3A_52 = arith.constant 0 : index
    %swap3A_53 = vector.load %arg9[%swap3A, %swap3A_52] : memref<3200x128xf32, #tpu.memory_space<vmem>>, vector<3200x128xf32>
    tpu.vector_store %arg9[%swap3A, %swap3A_52], %mul3A_46 {strides = array<i32>} : memref<3200x128xf32, #tpu.memory_space<vmem>>, vector<3200x128xf32>,
    %mul3A_54 = vector.broadcast %tanh3A : vector<1x3200xf32> to vector<8x3200xf32>
    %mul3A_55 = arith.mulf %get3A_7, %mul3A_54 : vector<8x3200xf32>
    %swap3A_56 = arith.constant 0 : index
    %swap3A_57 = arith.constant 0 : index
    %swap3A_58 = vector.load %arg10[%swap3A_56, %swap3A_57] : memref<8x3200xf32, #tpu.memory_space<vmem>>, vector<8x3200xf32>
    tpu.vector_store %arg10[%swap3A_56, %swap3A_57], %mul3A_55 {strides = array<i32>} : memref<8x3200xf32, #tpu.memory_space<vmem>>, vector<8x3200xf32>,
    return
  }
  func.func @transform_0(%arg0: i32) -> (i32, i32) {
    %c0_i32 = arith.constant 0 : i32
    %c0_i32_0 = arith.constant 0 : i32
    return %arg0, %c0_i32 : i32, i32
  }
  func.func @transform_1(%arg0: i32) -> (i32, i32) {
    %c0_i32 = arith.constant 0 : i32
    %c0_i32_0 = arith.constant 0 : i32
    return %arg0, %c0_i32 : i32, i32
  }
  func.func @transform_2(%arg0: i32) -> (i32, i32) {
    %c0_i32 = arith.constant 0 : i32
    %c0_i32_0 = arith.constant 0 : i32
    return %c0_i32, %arg0 : i32, i32
  }
  func.func @transform_3(%arg0: i32) -> (i32, i32) {
    %c0_i32 = arith.constant 0 : i32
    %c0_i32_0 = arith.constant 0 : i32
    %c0_i32_1 = arith.constant 0 : i32
    return %c0_i32, %c0_i32_0 : i32, i32
  }
  func.func @transform_4(%arg0: i32) -> (i32, i32) {
    %c0_i32 = arith.constant 0 : i32
    %c0_i32_0 = arith.constant 0 : i32
    %c0_i32_1 = arith.constant 0 : i32
    return %c0_i32, %c0_i32_0 : i32, i32
  }
  func.func @transform_5(%arg0: i32) -> (i32, i32) {
    %c0_i32 = arith.constant 0 : i32
    %c0_i32_0 = arith.constant 0 : i32
    %c0_i32_1 = arith.constant 0 : i32
    return %c0_i32, %c0_i32_0 : i32, i32
  }
  func.func @transform_6(%arg0: i32) -> (i32, i32) {
    %c0_i32 = arith.constant 0 : i32
    %c0_i32_0 = arith.constant 0 : i32
    %c0_i32_1 = arith.constant 0 : i32
    return %c0_i32, %c0_i32_0 : i32, i32
  }
  func.func @transform_7(%arg0: i32) -> (i32, i32) {
    %c0_i32 = arith.constant 0 : i32
    %c0_i32_0 = arith.constant 0 : i32
    %c0_i32_1 = arith.constant 0 : i32
    return %c0_i32, %c0_i32_0 : i32, i32
  }
  func.func @transform_8(%arg0: i32) -> (i32, i32) {
    %c0_i32 = arith.constant 0 : i32
    %c0_i32_0 = arith.constant 0 : i32
    return %arg0, %c0_i32 : i32, i32
  }
  func.func @transform_9(%arg0: i32) -> (i32, i32) {
    %c0_i32 = arith.constant 0 : i32
    %c0_i32_0 = arith.constant 0 : i32
    return %c0_i32, %arg0 : i32, i32
  }
}

module attributes {stable_mosaic.version = 14 : i64} {
  func.func @_stage5(%arg0: i32, %arg1: memref<10000x128xf32, #tpu.memory_space<vmem>>, %arg2: memref<10000x128xf32, #tpu.memory_space<vmem>>, %arg3: memref<10000x16xf32, #tpu.memory_space<vmem>>, %arg4: memref<10000x16xf32, #tpu.memory_space<vmem>>, %arg5: memref<10000x128xf32, #tpu.memory_space<vmem>>, %arg6: memref<10000x4xf32, #tpu.memory_space<vmem>>, %arg7: memref<128x128xf32, #tpu.memory_space<vmem>>, %arg8: memref<128x128xf32, #tpu.memory_space<vmem>>, %arg9: memref<1x128xf32, #tpu.memory_space<vmem>>, %arg10: memref<1x1xf32, #tpu.memory_space<vmem>>) attributes {dimension_semantics = [#tpu.dimension_semantics<arbitrary>], iteration_bounds = array<i64: 1>, scalar_prefetch = 0 : i64, scratch_operands = 0 : i64, tpu.core_type = #tpu.core_type<tc>, window_params = [{pipeline_mode = #tpu.pipeline_mode<synchronous>, transform_indices = @transform_0, window_bounds = array<i64: 10000, 128>}, {pipeline_mode = #tpu.pipeline_mode<synchronous>, transform_indices = @transform_1, window_bounds = array<i64: 10000, 128>}, {pipeline_mode = #tpu.pipeline_mode<synchronous>, transform_indices = @transform_2, window_bounds = array<i64: 10000, 16>}, {pipeline_mode = #tpu.pipeline_mode<synchronous>, transform_indices = @transform_3, window_bounds = array<i64: 10000, 16>}, {pipeline_mode = #tpu.pipeline_mode<synchronous>, transform_indices = @transform_4, window_bounds = array<i64: 10000, 128>}, {pipeline_mode = #tpu.pipeline_mode<synchronous>, transform_indices = @transform_5, window_bounds = array<i64: 10000, 4>}, {pipeline_mode = #tpu.pipeline_mode<synchronous>, transform_indices = @transform_6, window_bounds = array<i64: 128, 128>}, {pipeline_mode = #tpu.pipeline_mode<synchronous>, transform_indices = @transform_7, window_bounds = array<i64: 128, 128>}, {pipeline_mode = #tpu.pipeline_mode<synchronous>, transform_indices = @transform_8, window_bounds = array<i64: 1, 128>}, {pipeline_mode = #tpu.pipeline_mode<synchronous>, transform_indices = @transform_9, window_bounds = array<i64: 1, 1>}]} {
    %get3A = arith.constant 0 : index
    %get3A_0 = arith.constant 0 : index
    %get3A_1 = vector.load %arg1[%get3A, %get3A_0] : memref<10000x128xf32, #tpu.memory_space<vmem>>, vector<10000x128xf32>
    %get3A_2 = arith.constant 0 : index
    %get3A_3 = arith.constant 0 : index
    %get3A_4 = vector.load %arg2[%get3A_2, %get3A_3] : memref<10000x128xf32, #tpu.memory_space<vmem>>, vector<10000x128xf32>
    %add3A = arith.addf %get3A_1, %get3A_4 : vector<10000x128xf32>
    %get3A_5 = arith.constant 0 : index
    %get3A_6 = arith.constant 0 : index
    %get3A_7 = vector.load %arg3[%get3A_5, %get3A_6] : memref<10000x16xf32, #tpu.memory_space<vmem>>, vector<10000x16xf32>
    %get3A_8 = arith.constant 0 : index
    %get3A_9 = arith.constant 0 : index
    %get3A_10 = vector.load %arg4[%get3A_8, %get3A_9] : memref<10000x16xf32, #tpu.memory_space<vmem>>, vector<10000x16xf32>
    %add3A_11 = arith.addf %get3A_7, %get3A_10 : vector<10000x16xf32>
    %slice3A = vector.extract_strided_slice %add3A_11 {offsets = [0, 0], sizes = [10000, 3], strides = [1, 1]} : vector<10000x16xf32> to vector<10000x3xf32>
    %get3A_12 = arith.constant 0 : index
    %get3A_13 = arith.constant 0 : index
    %get3A_14 = vector.load %arg5[%get3A_12, %get3A_13] : memref<10000x128xf32, #tpu.memory_space<vmem>>, vector<10000x128xf32>
    %get3A_15 = arith.constant 0 : index
    %get3A_16 = arith.constant 0 : index
    %get3A_17 = vector.load %arg7[%get3A_15, %get3A_16] : memref<128x128xf32, #tpu.memory_space<vmem>>, vector<128x128xf32>
    %dot_general3A = arith.constant dense<0.000000e+00> : vector<10000x128xf32>
    %dot_general3A_18 = tpu.matmul %get3A_14, %get3A_17, %dot_general3A {dimension_numbers = #tpu.dot_dimension_numbers<[1], [0], [0], [1], [0, 0, 1, 1], [], []>, transpose_lhs_hint = false} : vector<10000x128xf32>, vector<128x128xf32>, vector<10000x128xf32> -> vector<10000x128xf32>
    %get3A_19 = arith.constant 0 : index
    %get3A_20 = arith.constant 0 : index
    %get3A_21 = vector.load %arg8[%get3A_19, %get3A_20] : memref<128x128xf32, #tpu.memory_space<vmem>>, vector<128x128xf32>
    %dot_general3A_22 = arith.constant dense<0.000000e+00> : vector<10000x128xf32>
    %dot_general3A_23 = tpu.matmul %add3A, %get3A_21, %dot_general3A_22 {dimension_numbers = #tpu.dot_dimension_numbers<[1], [0], [0], [1], [0, 0, 1, 1], [], []>, transpose_lhs_hint = false} : vector<10000x128xf32>, vector<128x128xf32>, vector<10000x128xf32> -> vector<10000x128xf32>
    %add3A_24 = arith.addf %dot_general3A_18, %dot_general3A_23 : vector<10000x128xf32>
    %get3A_25 = arith.constant 0 : index
    %get3A_26 = arith.constant 0 : index
    %get3A_27 = vector.load %arg9[%get3A_25, %get3A_26] : memref<1x128xf32, #tpu.memory_space<vmem>>, vector<1x128xf32>
    %add3A_28 = vector.broadcast %get3A_27 : vector<1x128xf32> to vector<10000x128xf32>
    %add3A_29 = arith.addf %add3A_24, %add3A_28 : vector<10000x128xf32>
    %logistic3A = arith.negf %add3A_29 : vector<10000x128xf32>
    %logistic3A_30 = math.exp %logistic3A : vector<10000x128xf32>
    %logistic3A_31 = arith.constant 1.000000e+00 : f32
    %logistic3A_32 = vector.broadcast %logistic3A_31 : f32 to vector<10000x128xf32>
    %logistic3A_33 = arith.addf %logistic3A_32, %logistic3A_30 : vector<10000x128xf32>
    %logistic3A_34 = arith.divf %logistic3A_32, %logistic3A_33 : vector<10000x128xf32>
    %mul3A = arith.mulf %add3A_29, %logistic3A_34 : vector<10000x128xf32>
    %add3A_35 = arith.addf %get3A_14, %mul3A : vector<10000x128xf32>
    %get3A_36 = arith.constant 0 : index
    %get3A_37 = arith.constant 0 : index
    %get3A_38 = vector.load %arg6[%get3A_36, %get3A_37] : memref<10000x4xf32, #tpu.memory_space<vmem>>, vector<10000x4xf32>
    %slice3A_39 = vector.extract_strided_slice %get3A_38 {offsets = [0, 0], sizes = [10000, 3], strides = [1, 1]} : vector<10000x4xf32> to vector<10000x3xf32>
    %sub3A = arith.subf %slice3A, %slice3A_39 : vector<10000x3xf32>
    %mul3A_40 = arith.mulf %sub3A, %sub3A : vector<10000x3xf32>
    %reduce_sum3A = vector.shape_cast %mul3A_40 : vector<10000x3xf32> to vector<1x10000x3xf32>
    %reduce_sum3A_41 = arith.constant dense<0.000000e+00> : vector<1xf32>
    %reduce_sum3A_42 = vector.multi_reduction <add>, %reduce_sum3A, %reduce_sum3A_41 [1, 2] : vector<1x10000x3xf32> to vector<1xf32>
    %reduce_sum3A_43 = vector.shape_cast %reduce_sum3A_42 : vector<1xf32> to vector<1x1x1xf32>
    %reduce_sum3A_44 = vector.extract %reduce_sum3A_43[0, 0, 0] : f32 from vector<1x1x1xf32>
    %div3A = arith.constant 3.000000e+04 : f32
    %div3A_45 = arith.divf %reduce_sum3A_44, %div3A : f32
    %mul3A_46 = arith.mulf %add3A_35, %add3A_35 : vector<10000x128xf32>
    %reduce_sum3A_47 = vector.shape_cast %mul3A_46 : vector<10000x128xf32> to vector<1x10000x128xf32>
    %reduce_sum3A_48 = arith.constant dense<0.000000e+00> : vector<1xf32>
    %reduce_sum3A_49 = vector.multi_reduction <add>, %reduce_sum3A_47, %reduce_sum3A_48 [1, 2] : vector<1x10000x128xf32> to vector<1xf32>
    %reduce_sum3A_50 = vector.shape_cast %reduce_sum3A_49 : vector<1xf32> to vector<1x1x1xf32>
    %reduce_sum3A_51 = vector.extract %reduce_sum3A_50[0, 0, 0] : f32 from vector<1x1x1xf32>
    %mul3A_52 = arith.constant 9.99999974E-5 : f32
    %mul3A_53 = arith.mulf %mul3A_52, %reduce_sum3A_51 : f32
    %div3A_54 = arith.constant 1.280000e+06 : f32
    %div3A_55 = arith.divf %mul3A_53, %div3A_54 : f32
    %add3A_56 = arith.addf %div3A_45, %div3A_55 : f32
    %reshape3A = vector.broadcast %add3A_56 : f32 to vector<1x1xf32>
    %swap3A = arith.constant 0 : index
    %swap3A_57 = arith.constant 0 : index
    %swap3A_58 = vector.load %arg10[%swap3A, %swap3A_57] : memref<1x1xf32, #tpu.memory_space<vmem>>, vector<1x1xf32>
    tpu.vector_store %arg10[%swap3A, %swap3A_57], %reshape3A {strides = array<i32>} : memref<1x1xf32, #tpu.memory_space<vmem>>, vector<1x1xf32>,
    return
  }
  func.func @transform_0(%arg0: i32) -> (i32, i32) {
    %c0_i32 = arith.constant 0 : i32
    %c0_i32_0 = arith.constant 0 : i32
    %c0_i32_1 = arith.constant 0 : i32
    return %c0_i32, %c0_i32_0 : i32, i32
  }
  func.func @transform_1(%arg0: i32) -> (i32, i32) {
    %c0_i32 = arith.constant 0 : i32
    %c0_i32_0 = arith.constant 0 : i32
    %c0_i32_1 = arith.constant 0 : i32
    return %c0_i32, %c0_i32_0 : i32, i32
  }
  func.func @transform_2(%arg0: i32) -> (i32, i32) {
    %c0_i32 = arith.constant 0 : i32
    %c0_i32_0 = arith.constant 0 : i32
    %c0_i32_1 = arith.constant 0 : i32
    return %c0_i32, %c0_i32_0 : i32, i32
  }
  func.func @transform_3(%arg0: i32) -> (i32, i32) {
    %c0_i32 = arith.constant 0 : i32
    %c0_i32_0 = arith.constant 0 : i32
    %c0_i32_1 = arith.constant 0 : i32
    return %c0_i32, %c0_i32_0 : i32, i32
  }
  func.func @transform_4(%arg0: i32) -> (i32, i32) {
    %c0_i32 = arith.constant 0 : i32
    %c0_i32_0 = arith.constant 0 : i32
    %c0_i32_1 = arith.constant 0 : i32
    return %c0_i32, %c0_i32_0 : i32, i32
  }
  func.func @transform_5(%arg0: i32) -> (i32, i32) {
    %c0_i32 = arith.constant 0 : i32
    %c0_i32_0 = arith.constant 0 : i32
    %c0_i32_1 = arith.constant 0 : i32
    return %c0_i32, %c0_i32_0 : i32, i32
  }
  func.func @transform_6(%arg0: i32) -> (i32, i32) {
    %c0_i32 = arith.constant 0 : i32
    %c0_i32_0 = arith.constant 0 : i32
    %c0_i32_1 = arith.constant 0 : i32
    return %c0_i32, %c0_i32_0 : i32, i32
  }
  func.func @transform_7(%arg0: i32) -> (i32, i32) {
    %c0_i32 = arith.constant 0 : i32
    %c0_i32_0 = arith.constant 0 : i32
    %c0_i32_1 = arith.constant 0 : i32
    return %c0_i32, %c0_i32_0 : i32, i32
  }
  func.func @transform_8(%arg0: i32) -> (i32, i32) {
    %c0_i32 = arith.constant 0 : i32
    %c0_i32_0 = arith.constant 0 : i32
    %c0_i32_1 = arith.constant 0 : i32
    return %c0_i32, %c0_i32_0 : i32, i32
  }
  func.func @transform_9(%arg0: i32) -> (i32, i32) {
    %c0_i32 = arith.constant 0 : i32
    %c0_i32_0 = arith.constant 0 : i32
    %c0_i32_1 = arith.constant 0 : i32
    return %c0_i32, %c0_i32_0 : i32, i32
  }
}

</mosaic_0001>

<sc_bundles>
// kernel: kernel.11.cloned.1.call-start
scs
__scs_entry_jumppad:
0x0: {  	(pc) =	sbr.rel $0x88, $3  }
0x1: {  	(tag) =	ssettag $0x0;
	lr =	simm.s32 $0x1  }
0x2: {  	[smem:$0x3F94] =	sst lr;
	_ =	strace $0xD0000000  }
0x3: {  	_ = 	snop  }
0x4: {  	_ = 	snop  }
0x5: {  	_ = 	snop  }
0x6: {  	_ = 	snop  }
0x7: {  	_ = 	snop  }
__scs_overlays_trampoline_lowered:
0x8: {  	[smem:$0x3FA3] =	sst s0  }
0x9: {  	[smem:$0x3FA4] =	sst s1  }
0xa: {  	[smem:$0x3FA5] =	sst s2  }
0xb: {  	[smem:$0x3FA6] =	sst s3  }
0xc: {  	[smem:$0x3FA7] =	sst s4  }
0xd: {  	[smem:$0x3FA8] =	sst s5  }
0xe: {  	[smem:$0x3FA9] =	sst s6  }
0xf: {  	[smem:$0x3FAA] =	sst s7  }
0x10: {  	[smem:$0x3FAB] =	sst s8  }
0x11: {  	[smem:$0x3FAC] =	sst s9;
	s0 =	simm.s32 @!p0 $0x0  }
0x12: {  	s1 =	sld [smem:$0x3F92];
	s0 =	simm.s32 @p0 $0x1  }
0x13: {  	[smem:$0x3FAD] =	sst s0;
	s0 =	simm.s32 @!p1 $0x0  }
0x14: {  	s2 =	sld [smem:$0x3F91];
	s0 =	simm.s32 @p1 $0x1  }
0x15: {  	[smem:$0x3FAE] =	sst s0;
	s0 =	simm.s32 @!p2 $0x0  }
0x16: {  	s3 =	sld [smem:$0x3FDB];
	s0 =	simm.s32 @p2 $0x1  }
0x17: {  	s4 =	simm.s32 $0x1BF5;
	[smem:$0x3FB0] =	sst s0  }
0x18: {  	s0 =	sld [smem:$0x3F93];
	_ =	swait.ge [sflag:s4], $0x0  }
0x19: {  	s7 =	sld [smem:$0x3F94]  }
0x1a: {  	s8 =	sadd.s32 $0xFFFFE003, lr  }
0x1b: {  	s9 =	sadd.s32 $0xFFFFFEF7, lr;
	s5 =	simm.s32 $0xFFFFFFFF;
	p2 =	slt.u32 s8, $0xFFFFF086  }
0x1c: {  	p1 =	slt.u32 s9, $0xF7A;
	s5 =	simm.s32 @!p2 $0x0  }
0x1d: {  	s5 =	simm.s32 @p1 $0x1;
	p0 =	seq.s32 s7, s2  }
0x1e: {  	s7 =	smul.u32 @!p0 $0xF7A, s2;
	p2 =	seq.s32 @!p0 s5, $0x0  }
0x1f: {  	s9 =	smul.u32 $0xF7A, s1;
	s8 =	simm.s32 @!p0 $0x1BF5;
	p2 =	por !p2, p0  }
0x20: {  	[sflag:s8] =	ssyncset.s32 @!p0 $0xFFFFF086;
	s6 =	sadd.s32 @!p0 s3, s7;
	s7 =	simm.s32 @!p0 $0x108  }
0x21: {  	s3 =	sadd.s32 s3, s9;
	s6 =	sadd.s32 @!p0 $0x88, s6;
	s7 =	simm.s32 @p2 $0x1082  }
0x22: {  	[simem:s7], [sflag:s8] =	dma.local @!p0 [hbm:s6], $0xF7A  }
0x23: {  	s9 =	sor.u32 $0xD0000000, s2;
	s6 =	simm.s32 $0x108;
	_ =	swait.ge @!p0 [sflag:s8], $0x0  }
0x24: {  	s3 =	sadd.s32 $0x88, s3;
	s6 =	simm.s32 @!p1 $0x1082;
	[sflag:s4] =	ssyncset.s32 $0xFFFFF086  }
0x25: {  	[simem:s6], [sflag:s4] =	dma.local [hbm:s3], $0xF7A  }
0x26: {  	[smem:$0x3F94] =	sst s1;
	(tag) =	ssettag s2;
	_ =	strace s9  }
0x27: {  	s1 =	sld [smem:$0x3FA4]  }
0x28: {  	s2 =	sld [smem:$0x3FA5]  }
0x29: {  	s4 =	sld [smem:$0x3FA7]  }
0x2a: {  	p0 =	seq.s32 s5, $0x0;
	s5 =	sld [smem:$0x3FA8]  }
0x2b: {  	s6 =	sld [smem:$0x3FA9]  }
0x2c: {  	s7 =	sld [smem:$0x3FAA]  }
0x2d: {  	s3 =	simm.s32 $0x108;
	s8 =	sld [smem:$0x3FAB]  }
0x2e: {  	s3 =	simm.s32 @!p0 $0x1082;
	s9 =	sld [smem:$0x3FAC]  }
0x2f: {  	lr =	sadd.s32 s0, s3;
	s0 =	sld [smem:$0x3FA3]  }
0x30: {  	s3 =	sld [smem:$0x3FA6]  }
0x31: {  	[smem:$0x3FAF] =	sst s10  }
0x32: {  	s10 =	sld [smem:$0x3FAD];
	_ =	sdelay $0x3  }
0x33: {  	p0 =	seq.s32 s10, $0x1;
	s10 =	sld [smem:$0x3FAF];
	_ =	sdelay $0x3  }
0x34: {  	[smem:$0x3FAF] =	sst s10  }
0x35: {  	s10 =	sld [smem:$0x3FAE];
	_ =	sdelay $0x3  }
0x36: {  	p1 =	seq.s32 s10, $0x1;
	s10 =	sld [smem:$0x3FAF];
	_ =	sdelay $0x3  }
0x37: {  	[smem:$0x3FAF] =	sst s10  }
0x38: {  	s10 =	sld [smem:$0x3FB0]  }
0x39: {  	_ = 	snop;
	(pc) =	sbr.ind lr, $3  }
0x3a: {  	_ = 	snop  }
0x3b: {  	_ = 	snop  }
0x3c: {  	p2 =	seq.s32 s10, $0x1;
	s10 =	sld [smem:$0x3FAF]  }
0x3d: {  	_ =	shalt  }
0x3e: {  	_ =	shalt  }
0x3f: {  	_ =	shalt  }
0x40: {  	_ =	shalt  }
0x41: {  	_ =	shalt  }
0x42: {  	_ =	shalt  }
0x43: {  	_ =	shalt  }
0x44: {  	_ =	shalt  }
0x45: {  	_ =	shalt  }
0x46: {  	_ =	shalt  }
0x47: {  	_ =	shalt  }
0x48: {  	_ =	shalt  }
0x49: {  	_ =	shalt  }
0x4a: {  	_ =	shalt  }
0x4b: {  	_ =	shalt  }
0x4c: {  	_ =	shalt  }
0x4d: {  	_ =	shalt  }
0x4e: {  	_ =	shalt  }
0x4f: {  	_ =	shalt  }
0x50: {  	_ =	shalt  }
0x51: {  	_ =	shalt  }
0x52: {  	_ =	shalt  }
0x53: {  	_ =	shalt  }
0x54: {  	_ =	shalt  }
0x55: {  	_ =	shalt  }
0x56: {  	_ =	shalt  }
0x57: {  	_ =	shalt  }
0x58: {  	_ =	shalt  }
0x59: {  	_ =	shalt  }
0x5a: {  	_ =	shalt  }
0x5b: {  	_ =	shalt  }
0x5c: {  	_ =	shalt  }
0x5d: {  	_ =	shalt  }
0x5e: {  	_ =	shalt  }
0x5f: {  	_ =	shalt  }
0x60: {  	_ =	shalt  }
0x61: {  	_ =	shalt  }
0x62: {  	_ =	shalt  }
0x63: {  	_ =	shalt  }
0x64: {  	_ =	shalt  }
0x65: {  	_ =	shalt  }
0x66: {  	_ =	shalt  }
0x67: {  	_ =	shalt  }
0x68: {  	_ =	shalt  }
0x69: {  	_ =	shalt  }
0x6a: {  	_ =	shalt  }
0x6b: {  	_ =	shalt  }
0x6c: {  	_ =	shalt  }
0x6d: {  	_ =	shalt  }
0x6e: {  	_ =	shalt  }
0x6f: {  	_ =	shalt  }
0x70: {  	_ =	shalt  }
0x71: {  	_ =	shalt  }
0x72: {  	_ =	shalt  }
0x73: {  	_ =	shalt  }
0x74: {  	_ =	shalt  }
0x75: {  	_ =	shalt  }
0x76: {  	_ =	shalt  }
0x77: {  	_ =	shalt  }
0x78: {  	_ =	shalt  }
0x79: {  	_ =	shalt  }
0x7a: {  	_ =	shalt  }
0x7b: {  	_ =	shalt  }
0x7c: {  	_ =	shalt  }
0x7d: {  	_ =	shalt  }
0x7e: {  	_ =	shalt  }
0x7f: {  	_ =	shalt  }
0x80: {  	_ =	shalt  }
0x81: {  	_ =	shalt  }
0x82: {  	_ =	shalt  }
0x83: {  	_ =	shalt  }
0x84: {  	_ =	shalt  }
0x85: {  	_ =	shalt  }
0x86: {  	_ =	shalt  }
0x87: {  	_ =	shalt  }
.Lfunc_end0:
.L_simem_size_0:
called_computation.1_lowered:
.L_overlay_start_0:
0x88: {  	s2 =	sld [smem:$0x3FD9]  }
0x89: {  	s3 =	sld [smem:$0x3FFE];
	_ =	sdelay $0x1  }
0x8a: {  	s1 =	srdreg.scid  }
0x8b: {  	s0 =	sand.u32 $0x1, s1  }
0x8c: {  	s16 =	sshll.u32 s0, $0xA;
	s2 =	sadd.s32 s3, s2  }
0x8d: {  	s2 =	sadd.s32 s2, s16  }
0x8e: {  	[smem:$0x3FBB] =	sst s2  }
0x8f: {  	_ = 	snop  }
0x90: {  	(tm) =	ssettm $0x1  }
0x91: {  	s17 =	sld [smem:$0x3FFB];
	_ =	sdelay $0x3  }
0x92: {  	_ =	strace s17  }
0x93: {  	s2 =	sld [smem:$0x3FFC];
	_ =	sdelay $0x3  }
0x94: {  	_ =	strace s2  }
0x95: {  	s2 =	sld [smem:$0x3FFD];
	_ =	sdelay $0x3  }
0x96: {  	_ =	strace s2  }
0x97: {  	_ =	strace $0x8FFFFFFF  }
0x98: {  	s18 =	sld [smem:$0x3FDB];
	_ =	sdelay $0x1  }
0x99: {  	s19 =	simm.s32 $_scs_section_size  }
0x9a: {  	s4 =	simm.s32 $_size__tile_overlayer_lowered;
	s5 =	simm.s32 $_tile_overlayer_lowered  }
0x9b: {  	s22 =	simm.s32 $0x1BFF;
	s21 =	sshll.u32 s5, $0x1;
	s2 =	sadd.s32 s19, s18  }
0x9c: {  	s6 =	simm.s32 $0x0;
	s20 =	sshll.u32 s4, $0x1;
	s4 =	sadd.s32 s21, s2  }
0x9d: {  	[timem:s6], [sflag:s22] =	dma.local [hbm:s4], s20  }
0x9e: {  	_ =	swait.ge [sflag:s22], s20  }
0x9f: {  	s3 =	ssub.s32 $0x0, s20;
	[sflag:s22] =	ssyncset.done $0x0  }
0xa0: {  	[sflag:s22] =	ssyncadd.s32 s3;
	_ =	sdelay $0x1  }
0xa1: {  	s23 =	simm.s32 $0x1B8B  }
0xa2: {  	_ =	swait.ge [sflag:s23], $0x1  }
0xa3: {  	[sflag:s23] =	ssyncset.done $0x0  }
0xa4: {  	s25 =	simm.s32 $0x1B8E;
	s24 =	sld [smem:$0x3FFE];
	[sflag:s23] =	ssyncadd.s32 $0xFFFFFFFF  }
0xa5: {  	s26 =	simm.s32 $execute0_lowered;
	[smem:$0x3FD2] =	sst s25  }
0xa6: {  	s4 =	sshll.u32 s26, $0x1;
	_ =	strace $0x80000049;
	[dreg:$0x1] =	wrdreg $0xFFFFFFFF  }
0xa7: {  	s28 =	simm.s32 $_size_execute0_lowered;
	s2 =	sadd.s32 s2, s4;
	[dreg:$0x0] =	wrdreg $0x0  }
0xa8: {  	s4 =	sshll.u32 s28, $0x1;
	[dreg:$0x2] =	wrdreg s2  }
0xa9: {  	[dreg:$0x3] =	wrdreg s4  }
0xaa: {  	[dreg:$0x4] =	wrdreg $0xC0  }
0xab: {  	_ =	task [dreg:s6], $0x5FFFF  }
0xac: {  	[dreg:$0x1] =	wrdreg $0xFFFFFFFF  }
0xad: {  	[dreg:$0x0] =	wrdreg $0x60  }
0xae: {  	[dreg:$0x2] =	wrdreg s24  }
0xaf: {  	[dreg:$0x3] =	wrdreg $0x0  }
0xb0: {  	[dreg:$0x4] =	wrdreg $0x138800  }
0xb1: {  	[dreg:$0x5] =	wrdreg $0x9  }
0xb2: {  	_ =	task.clear_ibuf [dreg:s6], $0x6FFFF;
	_ =	strace $0x90000049  }
0xb3: {  	s29 =	simm.s32 $0x9;
	_ =	strace $0x8000004B  }
0xb4: {  	_ =	swait.ge [sflag:s29], $0x1  }
0xb5: {  	[sflag:s29] =	ssyncadd.s32 $0xFFFFFFFF  }
0xb6: {  	_ =	strace $0x9000004B  }
0xb7: {  	_ =	sfence  }
0xb8: {  	s30 =	sld [smem:$0x0];
	_ =	sdelay $0x2  }
0xb9: {  	s31 =	sshll.u32 s1, $0xD;
	s1 =	sshrl.u32 s1, $0x2  }
0xba: {  	s3 =	sand.u32 $0x4000, s31;
	s1 =	sadd.s32 s1, s30  }
0xbb: {  	s0 =	sor.u32 s3, s0;
	s1 =	sshll.u32 s1, $0x11  }
0xbc: {  	s0 =	sor.u32 s1, s0  }
0xbd: {  	s0 =	sadd.s32 $0x8F2B, s0  }
0xbe: {  	[sflag:s0] =	ssyncadd.remote.s32 $0x1  }
0xbf: {  	_ =	sfence.sel $0xFFFF  }
0xc0: {  	[dreg:$0x0] =	wrdreg $0xFFFFFFFF;
	(pc) =	sbr.abs _section_cstart, $3  }
0xc1: {  	[dreg:$0x1] =	wrdreg $0xFFFFFFFF  }
0xc2: {  	_ =	task.clear_ibuf [dreg:s6], $0x2FFFF;
	_ =	strace $0x9FFFFFFF  }
0xc3: {  	(tm) =	ssettm $0x7FFFFFFF  }
tec
execute0_lowered:
.L_overlay_start_1:
0x0: {  	(tag) =	ssettag $0x1  }
0x1: {  	s0 =	rddreg [dreg:$0x0]  }
0x2: {  	s1 =	rddreg [dreg:$0x1]  }
0x3: {  	s3 =	rddreg [dreg:$0x2]  }
0x4: {  	s4 =	simm.s32 $0x0;
	s20 =	stileid.u32;
	s10 =	srdreg.scid  }
0x5: {  	s21 =	simm.s32 $0x4E200;
	s22 =	simm.s32 $0x187E0;
	s23 =	simm.s32 $0x3  }
0x6: {  	s24 =	simm.s32 $0x1;
	s25 =	simm.s32 $0x2;
	s28 =	simm.s32 $0x4  }
0x7: {  	s29 =	simm.s32 $0x5;
	s30 =	simm.s32 $0x0;
	s2 =	smul.u32 $0x13880, s20  }
0x8: {  	[smem:$0x7FF] =	sst s4;
	s5 =	sadd.s32 $0xA9F800, s0;
	s8 =	smul.u32 $0x2710, s20  }
0x9: {  	v0 =	vimm.s32 $0xF0A05000;
	s6 =	sadd.s32 $0x28E00, s0;
	s7 =	sadd.s32 $0x83800, s0;
	s13 =	sadd.s32 $0xB9800, s0  }
0xa: {  	v1 =	vimm.s32 $0xF1A15101;
	v2 =	vimm.s32 $0x0;
	vm1 =	vcmask $0x300;
	s15 =	sand.u32 $0x1, s10;
	s16 =	sadd.s32 $0xE0A00, s0;
	s17 =	sadd.s32 $0xB4800, s0  }
0xb: {  	vm0 =	vcmask $0xF00;
	v5 =	vimm.s32 $0xF4A45404;
	v0 =	vunpack.c.0.s8.s32 v0;
	s19 =	sshll.u32 s20, $0x6;
	_ =	strace $0x8000004A;
	s10 =	ssub.s32 $0x2, s15  }
0xc: {  	v8 =	vimm.s32 $0xF7A75707;
	v1 =	vunpack.c.0.s8.s32 v1;
	v5 =	vunpack.c.0.s8.s32 v5;
	s26 =	sshll.u32 s15, $0x4;
	p0 =	seq.s32 s15, $0x1;
	s11 =	sshrl.u32 s2, $0x3  }
0xd: {  	v8 =	vunpack.c.0.s8.s32 v8;
	s14 =	sshrl.u32 s8, $0x3;
	s18 =	sshrl.u32 s10, $0x1;
	v3 =	vand.u32 $0xFF, v0;
	s2 =	sadd.s32 s2, s1;
	v0 =	vimm.s32 $0xF2A25202  }
0xe: {  	v4 =	vand.u32 $0xFF, v1;
	s31 =	sor.u32 s20, s26;
	v1 =	vimm.s32 $0xF3A35303;
	s8 =	sadd.s32 s8, s3;
	s13 =	smov.u32 @p0 s16;
	v6 =	vunpack.c.0.s8.s32 v0  }
0xf: {  	v5 =	vand.u32 $0xFF, v5;
	s16 =	simm.s32 $0x6;
	s20 =	simm.s32 $0x50;
	s26 =	simm.s32 $0x18A60;
	v7 =	vunpack.c.0.s8.s32 v1;
	v0 =	vsel vm1, $0x3, v2  }
0x10: {  	s9 =	sadd.s32 s11, s0;
	s12 =	sadd.s32 s14, s0;
	s0 =	sadd.s32 $0x7C000, s0;
	v1 =	vnsel vm0, $0xF0, v3;
	v2 =	vnsel vm0, $0xF1, v4;
	v3 =	vand.u32 $0xFF, v6  }
0x11: {  	s18 =	ssub.s32 s10, s18;
	s10 =	smul.u32 $0x2710, s31;
	s13 =	sadd.s32 s13, s11;
	v4 =	vand.u32 $0xFF, v7;
	v6 =	vimm.s32 $0xF5A55505;
	v7 =	vimm.s32 $0xF6A65606  }
0x12: {  	v8 =	vand.u32 $0xFF, v8;
	s15 =	sshrl.u32 s2, $0x3;
	s9 =	sadd.s32 $0x8D600, s9;
	s12 =	sadd.s32 $0x77000, s12;
	v6 =	vunpack.c.0.s8.s32 v6;
	v7 =	vunpack.c.0.s8.s32 v7  }
0x13: {  	v5 =	vnsel vm0, $0xF4, v5;
	v8 =	vnsel vm0, $0xF7, v8;
	s17 =	smov.u32 @p0 s0;
	[dreg:$0x4] =	wrdreg s9;
	s9 =	sor.u32 $0x1C06, s19  }
0x14: {  	[dreg:$0x5] =	wrdreg s12;
	s12 =	smax.u32 s18, $0x1;
	s14 =	sadd.s32 s17, s14;
	v3 =	vnsel vm0, $0xF2, v3;
	v6 =	vand.u32 $0xFF, v6;
	v7 =	vand.u32 $0xFF, v7  }
0x15: {  	s17 =	sshrl.u32 s8, $0x3;
	s18 =	simm.s32 $0x15F90;
	s19 =	simm.s32 $0x15FE0;
	v4 =	vnsel vm0, $0xF3, v4;
	v6 =	vnsel vm0, $0xF5, v6;
	v7 =	vnsel vm0, $0xF6, v7  }
.LBB2_1:
0x16: {  	s0 =	rddreg [dreg:$0x4]  }
0x17: {  	[spmem:s15], [sflag:s9] =	dma.local [hbm:s0], $0x2710  }
0x18: {  	_ =	swait.ge [sflag:s16], $0x2710  }
0x19: {  	[sflag:s16] =	ssyncset.done $0x0  }
0x1a: {  	s11 =	rddreg [dreg:$0x5];
	[sflag:s16] =	ssyncadd.s32 $0xFFFFD8F0  }
0x1b: {  	[spmem:s17], [sflag:s9] =	dma.local [hbm:s11], $0x4E2  }
0x1c: {  	_ =	swait.ge [sflag:s16], $0x4E2  }
0x1d: {  	[sflag:s16] =	ssyncset.done $0x0  }
0x1e: {  	[sflag:s16] =	ssyncadd.s32 $0xFFFFFB1E  }
0x1f: {  	s31 =	simm.s32 $0x0;
	[bflag:$0x0] =	sbarrier.arrive $0xFFFF  }
.LBB2_2:
0x20: {  	s0 =	smul.u32 $0x50, s31;
	_ =	sdelay $0x1  }
0x21: {  	s8 =	simm.s32 $0x0;
	s0 =	sadd.s32 s10, s0  }
0x22: {  	v9 =	vmov s8;
	s2 =	sshrl.u32 s0, $0x3  }
0x23: {  	v9 =	vshrl.u32 v9, $0x3;
	s0 =	sshll.u32 s0, $0x4;
	s11 =	sadd.s32 s7, s2  }
0x24: {  	v9 =	vshll.u32 v9, v0;
	[tilespmem:s18], [sflag:$0x1] =	stream.linear.gather [hbm4b:s11+s4], $0x50, $0x38;
	[tilespmem:$0x18F60] =	vst v63  }
0x25: {  	s0 =	sadd.s32 s5, s0;
	v9 =	vbroadcast v9, $0x0  }
0x26: {  	[tilespmem:s19], [sflag:$0x2] =	stream.linear.gather [hbm4b:s0+s4], $0x2800, $0x38;
	[tilespmem:$0x18F60] =	vst v63  }
0x27: {  	s8 =	sadd.s32 s6, s2;
	s11 =	simm.s32 $0x1;
	v9 =	vadd.s32 v1, v9  }
0x28: {  	v10 =	vmov s11;
	[tilespmem:s22], [sflag:$0x3] =	stream.strided.gather [hbm4b:s8+s20], $0x280, s21, s20, $0x38;
	[tilespmem:$0x18F60] =	vst v63  }
0x29: {  	v10 =	vshrl.u32 v10, $0x3;
	_ =	swait.ge [sflag:s23], $0x280  }
0x2a: {  	v10 =	vshll.u32 v10, v0;
	[sflag:s23] =	ssyncset.done $0x0  }
0x2b: {  	v10 =	vbroadcast v10, $0x0;
	[sflag:s23] =	ssyncadd.s32 $0xFFFFFD80  }
0x2c: {  	v9 =	vld.idx.msk [tilespmem:v9+s22+$0x0], $0xffff  }
0x2d: {  	s8 =	simm.s32 $0x2;
	v10 =	vadd.s32 v2, v10  }
0x2e: {  	v11 =	vmov s8  }
0x2f: {  	v11 =	vshrl.u32 v11, $0x3  }
0x30: {  	s0 =	simm.s32 $0x18AA0;
	v11 =	vshll.u32 v11, v0  }
0x31: {  	[tilespmem:s0+$0xFFFFFFC0] =	vst v9;
	v9 =	vbroadcast v11, $0x0  }
0x32: {  	v10 =	vld.idx.msk [tilespmem:v10+s22+$0x0], $0xffff  }
0x33: {  	s11 =	simm.s32 $0x3;
	v9 =	vadd.s32 v3, v9  }
0x34: {  	v11 =	vmov s11  }
0x35: {  	v11 =	vshrl.u32 v11, $0x3  }
0x36: {  	v11 =	vshll.u32 v11, v0  }
0x37: {  	[tilespmem:s0+$0xFFFFFFD0] =	vst v10;
	v10 =	vbroadcast v11, $0x0  }
0x38: {  	v9 =	vld.idx.msk [tilespmem:v9+s22+$0x0], $0xffff  }
0x39: {  	s8 =	simm.s32 $0x4;
	v10 =	vadd.s32 v4, v10  }
0x3a: {  	v11 =	vmov s8  }
0x3b: {  	v11 =	vshrl.u32 v11, $0x3  }
0x3c: {  	v11 =	vshll.u32 v11, v0  }
0x3d: {  	[tilespmem:s0+$0xFFFFFFE0] =	vst v9;
	v9 =	vbroadcast v11, $0x0  }
0x3e: {  	v10 =	vld.idx.msk [tilespmem:v10+s22+$0x0], $0xffff  }
0x3f: {  	s11 =	simm.s32 $0x5;
	v9 =	vadd.s32 v5, v9  }
0x40: {  	v11 =	vmov s11  }
0x41: {  	v11 =	vshrl.u32 v11, $0x3  }
0x42: {  	v11 =	vshll.u32 v11, v0  }
0x43: {  	[tilespmem:s0+$0xFFFFFFF0] =	vst v10;
	v10 =	vbroadcast v11, $0x0  }
0x44: {  	v9 =	vld.idx.msk [tilespmem:v9+s22+$0x0], $0xffff  }
0x45: {  	s8 =	simm.s32 $0x6;
	v10 =	vadd.s32 v6, v10  }
0x46: {  	v11 =	vmov s8  }
0x47: {  	v11 =	vshrl.u32 v11, $0x3  }
0x48: {  	v11 =	vshll.u32 v11, v0  }
0x49: {  	[tilespmem:s0+$0x0] =	vst v9;
	v9 =	vbroadcast v11, $0x0  }
0x4a: {  	v10 =	vld.idx.msk [tilespmem:v10+s22+$0x0], $0xffff  }
0x4b: {  	s11 =	simm.s32 $0x7;
	v9 =	vadd.s32 v7, v9  }
0x4c: {  	v11 =	vmov s11  }
0x4d: {  	v11 =	vshrl.u32 v11, $0x3  }
0x4e: {  	v11 =	vshll.u32 v11, v0  }
0x4f: {  	v11 =	vbroadcast v11, $0x0;
	[tilespmem:s0+$0x10] =	vst v10  }
0x50: {  	v9 =	vld.idx.msk [tilespmem:v9+s22+$0x0], $0xffff  }
0x51: {  	v10 =	vadd.s32 v8, v11  }
0x52: {  	s2 =	simm.s32 $0xF;
	s8 =	simm.s32 $0x17;
	s11 =	simm.s32 $0x8  }
.LBB2_3:
0x53: {  	p0 =	sne.s32 s8, $0x4F;
	v11 =	vmov s11  }
0x54: {  	v11 =	vshrl.u32 v11, $0x3  }
0x55: {  	v11 =	vshll.u32 v11, v0;
	[tilespmem:s0+$0x20] =	vst v9  }
0x56: {  	v9 =	vbroadcast v11, $0x0;
	v10 =	vld.idx.msk [tilespmem:v10+s22+$0x0], $0xffff;
	_ =	sdelay $0x1  }
0x57: {  	v9 =	vadd.s32 v1, v9  }
0x58: {  	s11 =	sadd.s32 $0xFFFFFFFA, s2  }
0x59: {  	v11 =	vmov s11  }
0x5a: {  	v11 =	vshrl.u32 v11, $0x3  }
0x5b: {  	v11 =	vshll.u32 v11, v0;
	[tilespmem:s0+$0x30] =	vst v10  }
0x5c: {  	v10 =	vbroadcast v11, $0x0;
	v9 =	vld.idx.msk [tilespmem:v9+s22+$0x0], $0xffff;
	_ =	sdelay $0x1  }
0x5d: {  	v10 =	vadd.s32 v2, v10  }
0x5e: {  	s11 =	sadd.s32 $0xFFFFFFFB, s2  }
0x5f: {  	v11 =	vmov s11  }
0x60: {  	s0 =	sadd.s32 $0x80, s0;
	v11 =	vshrl.u32 v11, $0x3  }
0x61: {  	[tilespmem:s0+$0xFFFFFFC0] =	vst v9;
	v9 =	vshll.u32 v11, v0  }
0x62: {  	v10 =	vld.idx.msk [tilespmem:v10+s22+$0x0], $0xffff;
	v9 =	vbroadcast v9, $0x0;
	_ =	sdelay $0x1  }
0x63: {  	v9 =	vadd.s32 v3, v9  }
0x64: {  	s11 =	sadd.s32 $0xFFFFFFFC, s2  }
0x65: {  	v11 =	vmov s11  }
0x66: {  	v11 =	vshrl.u32 v11, $0x3  }
0x67: {  	[tilespmem:s0+$0xFFFFFFD0] =	vst v10;
	v10 =	vshll.u32 v11, v0  }
0x68: {  	v9 =	vld.idx.msk [tilespmem:v9+s22+$0x0], $0xffff;
	v10 =	vbroadcast v10, $0x0;
	_ =	sdelay $0x1  }
0x69: {  	v10 =	vadd.s32 v4, v10  }
0x6a: {  	s11 =	sadd.s32 $0xFFFFFFFD, s2  }
0x6b: {  	v11 =	vmov s11  }
0x6c: {  	v11 =	vshrl.u32 v11, $0x3  }
0x6d: {  	[tilespmem:s0+$0xFFFFFFE0] =	vst v9;
	v9 =	vshll.u32 v11, v0  }
0x6e: {  	v10 =	vld.idx.msk [tilespmem:v10+s22+$0x0], $0xffff;
	v9 =	vbroadcast v9, $0x0;
	_ =	sdelay $0x1  }
0x6f: {  	v9 =	vadd.s32 v5, v9  }
0x70: {  	s11 =	sadd.s32 $0xFFFFFFFE, s2  }
0x71: {  	v11 =	vmov s11  }
0x72: {  	v11 =	vshrl.u32 v11, $0x3  }
0x73: {  	[tilespmem:s0+$0xFFFFFFF0] =	vst v10;
	v10 =	vshll.u32 v11, v0  }
0x74: {  	v9 =	vld.idx.msk [tilespmem:v9+s22+$0x0], $0xffff;
	v10 =	vbroadcast v10, $0x0;
	_ =	sdelay $0x1  }
0x75: {  	v10 =	vadd.s32 v6, v10  }
0x76: {  	s11 =	sadd.s32 $0xFFFFFFFF, s2  }
0x77: {  	v11 =	vmov s11  }
0x78: {  	v11 =	vshrl.u32 v11, $0x3  }
0x79: {  	[tilespmem:s0+$0x0] =	vst v9;
	v9 =	vshll.u32 v11, v0  }
0x7a: {  	v10 =	vld.idx.msk [tilespmem:v10+s22+$0x0], $0xffff;
	v9 =	vbroadcast v9, $0x0;
	_ =	sdelay $0x1  }
0x7b: {  	v9 =	vadd.s32 v7, v9;
	_ =	sdelay $0x1  }
0x7c: {  	v11 =	vmov s2;
	s2 =	smov.u32 s8  }
0x7d: {  	v11 =	vshrl.u32 v11, $0x3  }
.Ltmp0:
0x7e: {  	[tilespmem:s0+$0x10] =	vst v10;
	v10 =	vshll.u32 v11, v0;
	(pc) =	sbr.rel @p0 .LBB2_3-.Ltmp0, $3  }
0x7f: {  	v9 =	vld.idx.msk [tilespmem:v9+s22+$0x0], $0xffff;
	v10 =	vbroadcast v10, $0x0;
	_ =	sdelay $0x1  }
0x80: {  	v10 =	vadd.s32 v8, v10  }
0x81: {  	s8 =	sadd.s32 $0x8, s8;
	s11 =	sadd.s32 $0xFFFFFFF9, s2  }
0x82: {  	v11 =	vmov s11  }
0x83: {  	v11 =	vshrl.u32 v11, $0x3  }
0x84: {  	v11 =	vshll.u32 v11, v0  }
0x85: {  	[tilespmem:s0+$0x20] =	vst v9;
	v9 =	vbroadcast v11, $0x0  }
0x86: {  	v10 =	vld.idx.msk [tilespmem:v10+s22+$0x0], $0xffff  }
0x87: {  	s8 =	sadd.s32 $0xFFFFFFFA, s2;
	v9 =	vadd.s32 v1, v9  }
0x88: {  	v11 =	vmov s8  }
0x89: {  	v11 =	vshrl.u32 v11, $0x3  }
0x8a: {  	v11 =	vshll.u32 v11, v0  }
0x8b: {  	[tilespmem:s0+$0x30] =	vst v10;
	v10 =	vbroadcast v11, $0x0  }
0x8c: {  	v9 =	vld.idx.msk [tilespmem:v9+s22+$0x0], $0xffff  }
0x8d: {  	s11 =	sadd.s32 $0xFFFFFFFB, s2;
	v10 =	vadd.s32 v2, v10  }
0x8e: {  	v11 =	vmov s11  }
0x8f: {  	v11 =	vshrl.u32 v11, $0x3  }
0x90: {  	s0 =	sadd.s32 $0x80, s0;
	v11 =	vshll.u32 v11, v0  }
0x91: {  	[tilespmem:s0+$0xFFFFFFC0] =	vst v9;
	v9 =	vbroadcast v11, $0x0  }
0x92: {  	v10 =	vld.idx.msk [tilespmem:v10+s22+$0x0], $0xffff  }
0x93: {  	s11 =	sadd.s32 $0xFFFFFFFC, s2;
	v9 =	vadd.s32 v3, v9  }
0x94: {  	v11 =	vmov s11  }
0x95: {  	v11 =	vshrl.u32 v11, $0x3  }
0x96: {  	v11 =	vshll.u32 v11, v0  }
0x97: {  	[tilespmem:s0+$0xFFFFFFD0] =	vst v10;
	v10 =	vbroadcast v11, $0x0  }
0x98: {  	v9 =	vld.idx.msk [tilespmem:v9+s22+$0x0], $0xffff  }
0x99: {  	s11 =	sadd.s32 $0xFFFFFFFD, s2;
	v10 =	vadd.s32 v4, v10  }
0x9a: {  	v11 =	vmov s11  }
0x9b: {  	v11 =	vshrl.u32 v11, $0x3  }
0x9c: {  	v11 =	vshll.u32 v11, v0  }
0x9d: {  	[tilespmem:s0+$0xFFFFFFE0] =	vst v9;
	v9 =	vbroadcast v11, $0x0  }
0x9e: {  	v10 =	vld.idx.msk [tilespmem:v10+s22+$0x0], $0xffff  }
0x9f: {  	s11 =	sadd.s32 $0xFFFFFFFE, s2;
	v9 =	vadd.s32 v5, v9  }
0xa0: {  	v11 =	vmov s11  }
0xa1: {  	v11 =	vshrl.u32 v11, $0x3  }
0xa2: {  	v11 =	vshll.u32 v11, v0  }
0xa3: {  	[tilespmem:s0+$0xFFFFFFF0] =	vst v10;
	v10 =	vbroadcast v11, $0x0  }
0xa4: {  	v9 =	vld.idx.msk [tilespmem:v9+s22+$0x0], $0xffff  }
0xa5: {  	s11 =	sadd.s32 $0xFFFFFFFF, s2;
	v10 =	vadd.s32 v6, v10  }
0xa6: {  	v11 =	vmov s11  }
0xa7: {  	v11 =	vshrl.u32 v11, $0x3  }
0xa8: {  	v11 =	vshll.u32 v11, v0  }
0xa9: {  	[tilespmem:s0+$0x0] =	vst v9;
	v9 =	vbroadcast v11, $0x0  }
0xaa: {  	v10 =	vld.idx.msk [tilespmem:v10+s22+$0x0], $0xffff  }
0xab: {  	v9 =	vadd.s32 v7, v9  }
0xac: {  	v11 =	vmov s2  }
0xad: {  	v11 =	vshrl.u32 v11, $0x3  }
0xae: {  	v11 =	vshll.u32 v11, v0  }
0xaf: {  	[tilespmem:s0+$0x10] =	vst v10;
	v10 =	vbroadcast v11, $0x0  }
0xb0: {  	v9 =	vld.idx.msk [tilespmem:v9+s22+$0x0], $0xffff  }
0xb1: {  	v10 =	vadd.s32 v8, v10;
	_ =	sdelay $0x3  }
0xb2: {  	[tilespmem:s0+$0x20] =	vst v9  }
0xb3: {  	v9 =	vld.idx.msk [tilespmem:v10+s22+$0x0], $0xffff;
	_ =	sdelay $0x4  }
0xb4: {  	[tilespmem:s0+$0x30] =	vst v9  }
0xb5: {  	_ =	swait.ge [sflag:s24], $0x50  }
0xb6: {  	[sflag:s24] =	ssyncset.done $0x0  }
0xb7: {  	[sflag:s24] =	ssyncadd.s32 $0xFFFFFFB0  }
0xb8: {  	_ =	swait.ge [sflag:s25], $0x2800  }
0xb9: {  	[sflag:s25] =	ssyncset.done $0x0  }
0xba: {  	[sflag:s25] =	ssyncadd.s32 $0xFFFFD800  }
0xbb: {  	[spmem:s1] =	stream.indirect.scatter.add.f32 [tilespmem:s19], [sflag:$0x4], $0x80, s18, s20, $0xb8;
	[tilespmem:$0x18F60] =	vst v63  }
0xbc: {  	s31 =	sadd.s32 $0x1, s31  }
0xbd: {  	[spmem:s3] =	stream.indirect.scatter.add.f32 [tilespmem:s26], [sflag:$0x5], $0x10, s18, s20, $0xb8;
	[tilespmem:$0x18F60] =	vst v63  }
0xbe: {  	p0 =	sne.s32 s31, $0x7D;
	_ =	swait.ge [sflag:s28], $0x2800  }
.Ltmp1:
0xbf: {  	[sflag:s28] =	ssyncset.done $0x0;
	(pc) =	sbr.rel @p0 .LBB2_2-.Ltmp1, $4  }
0xc0: {  	[sflag:s28] =	ssyncadd.s32 $0xFFFFD800  }
0xc1: {  	_ =	swait.ge [sflag:s29], $0x500  }
0xc2: {  	[sflag:s29] =	ssyncset.done $0x0  }
0xc3: {  	[sflag:s29] =	ssyncadd.s32 $0xFFFFFB00  }
0xc4: {  	[bflag:$0x0] =	sbarrier.arrive $0xFFFF  }
0xc5: {  	[hbm:s13], [sflag:s9] =	dma.local [spmem:s15], $0x2710  }
0xc6: {  	s30 =	sadd.s32 $0x1, s30;
	_ =	swait.ge [sflag:s16], $0x2710  }
0xc7: {  	p0 =	sne.s32 s30, s12;
	[sflag:s16] =	ssyncset.done $0x0  }
.Ltmp2:
0xc8: {  	[sflag:s16] =	ssyncadd.s32 $0xFFFFD8F0;
	(pc) =	sbr.rel @p0 .LBB2_1-.Ltmp2, $4  }
0xc9: {  	[hbm:s14], [sflag:s9] =	dma.local [spmem:s17], $0x4E2  }
0xca: {  	_ =	swait.ge [sflag:s16], $0x4E2  }
0xcb: {  	[sflag:s16] =	ssyncset.done $0x0  }
0xcc: {  	[sflag:s16] =	ssyncadd.s32 $0xFFFFFB1E  }
0xcd: {  	_ =	sfence.sel $0x180000  }
0xce: {  	[bflag:$0x0] =	sbarrier.arrive $0xFFFF  }
0xcf: {  	_ =	strace $0x9000004A  }
0xd0: {  	s0 =	stileid.u32;
	[bflag:$0x2] =	sbarrier.arrive $0xFFFF  }
0xd1: {  	p0 =	sne.s32 s0, $0x0;
	s0 =	rddreg [dreg:$0x3]  }
0xd2: {  	s0 =	sadd.s32 @!p0 $0x100000, s0  }
0xd3: {  	[sflag:s0] =	ssyncadd.tile.s32 @!p0 $0x1;
	_ =	shalt  }
.Lfunc_end2:
_tile_overlayer_lowered:
.L_overlay_start_2:
0xd4: {  	(tag) =	ssettag $0x2  }
0xd5: {  	s0 =	rddreg [dreg:$0x0];
	s2 =	stileid.u32  }
0xd6: {  	s1 =	rddreg [dreg:$0x1];
	p0 =	sne.s32 s2, $0x0  }
0xd7: {  	s3 =	rddreg [dreg:$0x2];
	[bflag:$0x3] =	sbarrier.arrive $0xFFFF;
	s2 =	simm.s32 @!p0 $0x1C06  }
0xd8: {  	[timem:s3], [sflag:s2] =	dma.local @!p0 [hbm:s0], s1  }
0xd9: {  	s0 =	simm.s32 @!p0 $0x6  }
0xda: {  	_ =	swait.ge @!p0 [sflag:s0], s1  }
0xdb: {  	s1 =	ssub.s32 @!p0 $0x0, s1;
	[sflag:s0] =	ssyncset.done @!p0 $0x0  }
0xdc: {  	[sflag:s0] =	ssyncadd.s32 @!p0 s1  }
0xdd: {  	[bflag:$0x3] =	sbarrier.arrive $0xFFFF  }
0xde: {  	_ =	shalt  }

// kernel: kernel.8.cloned.1.call-start
scs
__scs_entry_jumppad:
0x0: {  	(pc) =	sbr.rel $0x88, $3  }
0x1: {  	(tag) =	ssettag $0x0;
	lr =	simm.s32 $0x1  }
0x2: {  	[smem:$0x3F94] =	sst lr;
	_ =	strace $0xD0000000  }
0x3: {  	_ = 	snop  }
0x4: {  	_ = 	snop  }
0x5: {  	_ = 	snop  }
0x6: {  	_ = 	snop  }
0x7: {  	_ = 	snop  }
__scs_overlays_trampoline_lowered:
0x8: {  	[smem:$0x3FA3] =	sst s0  }
0x9: {  	[smem:$0x3FA4] =	sst s1  }
0xa: {  	[smem:$0x3FA5] =	sst s2  }
0xb: {  	[smem:$0x3FA6] =	sst s3  }
0xc: {  	[smem:$0x3FA7] =	sst s4  }
0xd: {  	[smem:$0x3FA8] =	sst s5  }
0xe: {  	[smem:$0x3FA9] =	sst s6  }
0xf: {  	[smem:$0x3FAA] =	sst s7  }
0x10: {  	[smem:$0x3FAB] =	sst s8  }
0x11: {  	[smem:$0x3FAC] =	sst s9;
	s0 =	simm.s32 @!p0 $0x0  }
0x12: {  	s1 =	sld [smem:$0x3F92];
	s0 =	simm.s32 @p0 $0x1  }
0x13: {  	[smem:$0x3FAD] =	sst s0;
	s0 =	simm.s32 @!p1 $0x0  }
0x14: {  	s2 =	sld [smem:$0x3F91];
	s0 =	simm.s32 @p1 $0x1  }
0x15: {  	[smem:$0x3FAE] =	sst s0;
	s0 =	simm.s32 @!p2 $0x0  }
0x16: {  	s3 =	sld [smem:$0x3FDB];
	s0 =	simm.s32 @p2 $0x1  }
0x17: {  	s4 =	simm.s32 $0x1BF5;
	[smem:$0x3FB0] =	sst s0  }
0x18: {  	s0 =	sld [smem:$0x3F93];
	_ =	swait.ge [sflag:s4], $0x0  }
0x19: {  	s7 =	sld [smem:$0x3F94]  }
0x1a: {  	s8 =	sadd.s32 $0xFFFFE003, lr  }
0x1b: {  	s9 =	sadd.s32 $0xFFFFFEF7, lr;
	s5 =	simm.s32 $0xFFFFFFFF;
	p2 =	slt.u32 s8, $0xFFFFF086  }
0x1c: {  	p1 =	slt.u32 s9, $0xF7A;
	s5 =	simm.s32 @!p2 $0x0  }
0x1d: {  	s5 =	simm.s32 @p1 $0x1;
	p0 =	seq.s32 s7, s2  }
0x1e: {  	s7 =	smul.u32 @!p0 $0xF7A, s2;
	p2 =	seq.s32 @!p0 s5, $0x0  }
0x1f: {  	s9 =	smul.u32 $0xF7A, s1;
	s8 =	simm.s32 @!p0 $0x1BF5;
	p2 =	por !p2, p0  }
0x20: {  	[sflag:s8] =	ssyncset.s32 @!p0 $0xFFFFF086;
	s6 =	sadd.s32 @!p0 s3, s7;
	s7 =	simm.s32 @!p0 $0x108  }
0x21: {  	s3 =	sadd.s32 s3, s9;
	s6 =	sadd.s32 @!p0 $0x88, s6;
	s7 =	simm.s32 @p2 $0x1082  }
0x22: {  	[simem:s7], [sflag:s8] =	dma.local @!p0 [hbm:s6], $0xF7A  }
0x23: {  	s9 =	sor.u32 $0xD0000000, s2;
	s6 =	simm.s32 $0x108;
	_ =	swait.ge @!p0 [sflag:s8], $0x0  }
0x24: {  	s3 =	sadd.s32 $0x88, s3;
	s6 =	simm.s32 @!p1 $0x1082;
	[sflag:s4] =	ssyncset.s32 $0xFFFFF086  }
0x25: {  	[simem:s6], [sflag:s4] =	dma.local [hbm:s3], $0xF7A  }
0x26: {  	[smem:$0x3F94] =	sst s1;
	(tag) =	ssettag s2;
	_ =	strace s9  }
0x27: {  	s1 =	sld [smem:$0x3FA4]  }
0x28: {  	s2 =	sld [smem:$0x3FA5]  }
0x29: {  	s4 =	sld [smem:$0x3FA7]  }
0x2a: {  	p0 =	seq.s32 s5, $0x0;
	s5 =	sld [smem:$0x3FA8]  }
0x2b: {  	s6 =	sld [smem:$0x3FA9]  }
0x2c: {  	s7 =	sld [smem:$0x3FAA]  }
0x2d: {  	s3 =	simm.s32 $0x108;
	s8 =	sld [smem:$0x3FAB]  }
0x2e: {  	s3 =	simm.s32 @!p0 $0x1082;
	s9 =	sld [smem:$0x3FAC]  }
0x2f: {  	lr =	sadd.s32 s0, s3;
	s0 =	sld [smem:$0x3FA3]  }
0x30: {  	s3 =	sld [smem:$0x3FA6]  }
0x31: {  	[smem:$0x3FAF] =	sst s10  }
0x32: {  	s10 =	sld [smem:$0x3FAD];
	_ =	sdelay $0x3  }
0x33: {  	p0 =	seq.s32 s10, $0x1;
	s10 =	sld [smem:$0x3FAF];
	_ =	sdelay $0x3  }
0x34: {  	[smem:$0x3FAF] =	sst s10  }
0x35: {  	s10 =	sld [smem:$0x3FAE];
	_ =	sdelay $0x3  }
0x36: {  	p1 =	seq.s32 s10, $0x1;
	s10 =	sld [smem:$0x3FAF];
	_ =	sdelay $0x3  }
0x37: {  	[smem:$0x3FAF] =	sst s10  }
0x38: {  	s10 =	sld [smem:$0x3FB0]  }
0x39: {  	_ = 	snop;
	(pc) =	sbr.ind lr, $3  }
0x3a: {  	_ = 	snop  }
0x3b: {  	_ = 	snop  }
0x3c: {  	p2 =	seq.s32 s10, $0x1;
	s10 =	sld [smem:$0x3FAF]  }
0x3d: {  	_ =	shalt  }
0x3e: {  	_ =	shalt  }
0x3f: {  	_ =	shalt  }
0x40: {  	_ =	shalt  }
0x41: {  	_ =	shalt  }
0x42: {  	_ =	shalt  }
0x43: {  	_ =	shalt  }
0x44: {  	_ =	shalt  }
0x45: {  	_ =	shalt  }
0x46: {  	_ =	shalt  }
0x47: {  	_ =	shalt  }
0x48: {  	_ =	shalt  }
0x49: {  	_ =	shalt  }
0x4a: {  	_ =	shalt  }
0x4b: {  	_ =	shalt  }
0x4c: {  	_ =	shalt  }
0x4d: {  	_ =	shalt  }
0x4e: {  	_ =	shalt  }
0x4f: {  	_ =	shalt  }
0x50: {  	_ =	shalt  }
0x51: {  	_ =	shalt  }
0x52: {  	_ =	shalt  }
0x53: {  	_ =	shalt  }
0x54: {  	_ =	shalt  }
0x55: {  	_ =	shalt  }
0x56: {  	_ =	shalt  }
0x57: {  	_ =	shalt  }
0x58: {  	_ =	shalt  }
0x59: {  	_ =	shalt  }
0x5a: {  	_ =	shalt  }
0x5b: {  	_ =	shalt  }
0x5c: {  	_ =	shalt  }
0x5d: {  	_ =	shalt  }
0x5e: {  	_ =	shalt  }
0x5f: {  	_ =	shalt  }
0x60: {  	_ =	shalt  }
0x61: {  	_ =	shalt  }
0x62: {  	_ =	shalt  }
0x63: {  	_ =	shalt  }
0x64: {  	_ =	shalt  }
0x65: {  	_ =	shalt  }
0x66: {  	_ =	shalt  }
0x67: {  	_ =	shalt  }
0x68: {  	_ =	shalt  }
0x69: {  	_ =	shalt  }
0x6a: {  	_ =	shalt  }
0x6b: {  	_ =	shalt  }
0x6c: {  	_ =	shalt  }
0x6d: {  	_ =	shalt  }
0x6e: {  	_ =	shalt  }
0x6f: {  	_ =	shalt  }
0x70: {  	_ =	shalt  }
0x71: {  	_ =	shalt  }
0x72: {  	_ =	shalt  }
0x73: {  	_ =	shalt  }
0x74: {  	_ =	shalt  }
0x75: {  	_ =	shalt  }
0x76: {  	_ =	shalt  }
0x77: {  	_ =	shalt  }
0x78: {  	_ =	shalt  }
0x79: {  	_ =	shalt  }
0x7a: {  	_ =	shalt  }
0x7b: {  	_ =	shalt  }
0x7c: {  	_ =	shalt  }
0x7d: {  	_ =	shalt  }
0x7e: {  	_ =	shalt  }
0x7f: {  	_ =	shalt  }
0x80: {  	_ =	shalt  }
0x81: {  	_ =	shalt  }
0x82: {  	_ =	shalt  }
0x83: {  	_ =	shalt  }
0x84: {  	_ =	shalt  }
0x85: {  	_ =	shalt  }
0x86: {  	_ =	shalt  }
0x87: {  	_ =	shalt  }
.Lfunc_end0:
.L_simem_size_0:
called_computation_lowered:
.L_overlay_start_0:
0x88: {  	s2 =	sld [smem:$0x3FD9]  }
0x89: {  	s3 =	sld [smem:$0x3FFE];
	_ =	sdelay $0x1  }
0x8a: {  	s1 =	srdreg.scid  }
0x8b: {  	s0 =	sand.u32 $0x1, s1  }
0x8c: {  	s16 =	sshll.u32 s0, $0xA;
	s2 =	sadd.s32 s3, s2  }
0x8d: {  	s2 =	sadd.s32 s2, s16  }
0x8e: {  	[smem:$0x3FBB] =	sst s2  }
0x8f: {  	_ = 	snop  }
0x90: {  	(tm) =	ssettm $0x1  }
0x91: {  	s17 =	sld [smem:$0x3FFB];
	_ =	sdelay $0x3  }
0x92: {  	_ =	strace s17  }
0x93: {  	s2 =	sld [smem:$0x3FFC];
	_ =	sdelay $0x3  }
0x94: {  	_ =	strace s2  }
0x95: {  	s2 =	sld [smem:$0x3FFD];
	_ =	sdelay $0x3  }
0x96: {  	_ =	strace s2  }
0x97: {  	_ =	strace $0x8FFFFFFF  }
0x98: {  	s18 =	sld [smem:$0x3FDB];
	_ =	sdelay $0x1  }
0x99: {  	s19 =	simm.s32 $_scs_section_size  }
0x9a: {  	s4 =	simm.s32 $_size__tile_overlayer_lowered;
	s5 =	simm.s32 $_tile_overlayer_lowered  }
0x9b: {  	s22 =	simm.s32 $0x1BFF;
	s21 =	sshll.u32 s5, $0x1;
	s2 =	sadd.s32 s19, s18  }
0x9c: {  	s6 =	simm.s32 $0x0;
	s20 =	sshll.u32 s4, $0x1;
	s4 =	sadd.s32 s21, s2  }
0x9d: {  	[timem:s6], [sflag:s22] =	dma.local [hbm:s4], s20  }
0x9e: {  	_ =	swait.ge [sflag:s22], s20  }
0x9f: {  	s3 =	ssub.s32 $0x0, s20;
	[sflag:s22] =	ssyncset.done $0x0  }
0xa0: {  	[sflag:s22] =	ssyncadd.s32 s3;
	_ =	sdelay $0x1  }
0xa1: {  	s23 =	simm.s32 $0x1B8B  }
0xa2: {  	_ =	swait.ge [sflag:s23], $0x1  }
0xa3: {  	[sflag:s23] =	ssyncset.done $0x0  }
0xa4: {  	s25 =	simm.s32 $0x1B8E;
	s24 =	sld [smem:$0x3FFE];
	[sflag:s23] =	ssyncadd.s32 $0xFFFFFFFF  }
0xa5: {  	s26 =	simm.s32 $execute0_lowered;
	[smem:$0x3FD2] =	sst s25  }
0xa6: {  	s4 =	sshll.u32 s26, $0x1;
	_ =	strace $0x80000046;
	[dreg:$0x1] =	wrdreg $0xFFFFFFFF  }
0xa7: {  	s28 =	simm.s32 $_size_execute0_lowered;
	s2 =	sadd.s32 s2, s4;
	[dreg:$0x0] =	wrdreg $0x0  }
0xa8: {  	s4 =	sshll.u32 s28, $0x1;
	[dreg:$0x2] =	wrdreg s2  }
0xa9: {  	[dreg:$0x3] =	wrdreg s4  }
0xaa: {  	[dreg:$0x4] =	wrdreg $0xC0  }
0xab: {  	_ =	task [dreg:s6], $0x5FFFF  }
0xac: {  	[dreg:$0x1] =	wrdreg $0xFFFFFFFF  }
0xad: {  	[dreg:$0x0] =	wrdreg $0x60  }
0xae: {  	[dreg:$0x2] =	wrdreg s24  }
0xaf: {  	[dreg:$0x3] =	wrdreg $0x9  }
0xb0: {  	_ =	task.clear_ibuf [dreg:s6], $0x4FFFF;
	_ =	strace $0x90000046  }
0xb1: {  	s29 =	simm.s32 $0x9;
	_ =	strace $0x80000048  }
0xb2: {  	_ =	swait.ge [sflag:s29], $0x1  }
0xb3: {  	[sflag:s29] =	ssyncadd.s32 $0xFFFFFFFF  }
0xb4: {  	_ =	strace $0x90000048  }
0xb5: {  	_ =	sfence  }
0xb6: {  	s30 =	sld [smem:$0x0];
	_ =	sdelay $0x2  }
0xb7: {  	s31 =	sshll.u32 s1, $0xD;
	s1 =	sshrl.u32 s1, $0x2  }
0xb8: {  	s3 =	sand.u32 $0x4000, s31;
	s1 =	sadd.s32 s1, s30  }
0xb9: {  	s0 =	sor.u32 s3, s0;
	s1 =	sshll.u32 s1, $0x11  }
0xba: {  	s0 =	sor.u32 s1, s0  }
0xbb: {  	s0 =	sadd.s32 $0x8F2B, s0  }
0xbc: {  	[sflag:s0] =	ssyncadd.remote.s32 $0x1  }
0xbd: {  	_ =	sfence.sel $0xFFFF  }
0xbe: {  	[dreg:$0x0] =	wrdreg $0xFFFFFFFF;
	(pc) =	sbr.abs _section_cstart, $3  }
0xbf: {  	[dreg:$0x1] =	wrdreg $0xFFFFFFFF  }
0xc0: {  	_ =	task.clear_ibuf [dreg:s6], $0x2FFFF;
	_ =	strace $0x9FFFFFFF  }
0xc1: {  	(tm) =	ssettm $0x7FFFFFFF  }
tec
execute0_lowered:
.L_overlay_start_1:
0x0: {  	(tag) =	ssettag $0x1  }
0x1: {  	s0 =	rddreg [dreg:$0x0];
	s1 =	simm.s32 $0x0;
	v0 =	vimm.s32 $0xF0A05000;
	v1 =	vimm.s32 $0xF1A15101;
	s8 =	srdreg.scid  }
0x2: {  	v2 =	vimm.s32 $0x3020100;
	vm0 =	vcmask $0xF00;
	s30 =	stileid.u32;
	v5 =	vimm.s32 $0xF3A35303;
	s15 =	simm.s32 $0x8;
	s16 =	simm.s32 $0x3  }
0x3: {  	v6 =	vimm.s32 $0xF4A45404;
	v8 =	vimm.s32 $0xF6A65606;
	s17 =	simm.s32 $0x4;
	s18 =	simm.s32 $0x50;
	s19 =	simm.s32 $0x13920  }
0x4: {  	v9 =	vimm.s32 $0xF7A75707;
	s20 =	simm.s32 $0x16120;
	s21 =	simm.s32 $0x18920;
	s22 =	simm.s32 $0x1;
	v3 =	vunpack.c.0.s8.s32 v0;
	v1 =	vunpack.c.0.s8.s32 v1  }
0x5: {  	s23 =	simm.s32 $0x2;
	s24 =	simm.s32 $0x4E200;
	s25 =	simm.s32 $0x5;
	v0 =	vimm.f32 $0.0e+00;
	v2 =	vunpack.c.0.s8.s32 v2;
	v5 =	vunpack.c.0.s8.s32 v5  }
0x6: {  	s26 =	simm.s32 $0x6;
	s28 =	simm.s32 $0x7;
	[smem:$0x7FF] =	sst s1;
	v6 =	vunpack.c.0.s8.s32 v6;
	v4 =	vand.u32 $0xFF, v1;
	v1 =	vimm.s32 $0xF2A25202  }
0x7: {  	s2 =	sadd.s32 $0x83800, s0;
	s3 =	sadd.s32 $0x79A00, s0;
	s4 =	sadd.s32 $0x28E00, s0;
	v8 =	vunpack.c.0.s8.s32 v8;
	v3 =	vand.u32 $0xFF, v3;
	v7 =	vunpack.c.0.s8.s32 v1  }
0x8: {  	s5 =	sadd.s32 $0x50000, s0;
	s6 =	sadd.s32 $0x77200, s0;
	s7 =	sadd.s32 $0xDB800, s0;
	v9 =	vunpack.c.0.s8.s32 v9;
	v1 =	vnsel vm0, $0x3, v2;
	v2 =	vnsel vm0, $0xF0, v3  }
0x9: {  	s29 =	simm.s32 $0x0;
	s8 =	sand.u32 $0x1, s8;
	s9 =	sadd.s32 $0x5BD800, s0;
	v3 =	vnsel vm0, $0xF1, v4;
	v4 =	vand.u32 $0xFF, v7;
	v7 =	vimm.s32 $0xF5A55505  }
0xa: {  	s13 =	sshll.u32 s30, $0x1;
	s10 =	sadd.s32 $0x8D600, s0;
	s11 =	ssub.s32 $0x2, s8;
	v5 =	vand.u32 $0xFF, v5;
	v6 =	vand.u32 $0xFF, v6;
	v7 =	vunpack.c.0.s8.s32 v7  }
0xb: {  	_ =	strace $0x80000047;
	[dreg:$0x2] =	wrdreg s6;
	s12 =	sshrl.u32 s11, $0x1;
	v8 =	vand.u32 $0xFF, v8;
	v9 =	vand.u32 $0xFF, v9;
	v5 =	vnsel vm0, $0xF3, v5  }
0xc: {  	s8 =	sor.u32 s8, s13;
	s13 =	simm.s32 $0x138D0;
	s31 =	ssub.s32 s11, s12;
	v6 =	vnsel vm0, $0xF4, v6;
	v8 =	vnsel vm0, $0xF6, v8;
	v7 =	vand.u32 $0xFF, v7  }
0xd: {  	s11 =	smul.u32 $0x2710, s8;
	s12 =	simm.s32 $0x13880;
	v9 =	vnsel vm0, $0xF7, v9;
	s14 =	smax.u32 s31, $0x1;
	v4 =	vnsel vm0, $0xF2, v4;
	v7 =	vnsel vm0, $0xF5, v7  }
.LBB2_1:
0xe: {  	s0 =	rddreg [dreg:$0x2]  }
0xf: {  	[tilespmem:s1], [sflag:$0x8] =	stream.linear.gather [hbm4b:s0+s1], $0x13880, $0x38;
	[tilespmem:$0x18BA0] =	vst v63  }
0x10: {  	_ =	swait.ge [sflag:s15], $0x13880  }
0x11: {  	[sflag:s15] =	ssyncset.done $0x0  }
0x12: {  	[sflag:s15] =	ssyncadd.s32 $0xFFFEC780  }
0x13: {  	[tilespmem:$0x18920] =	vst v0  }
0x14: {  	[tilespmem:$0x18930] =	vst v0  }
0x15: {  	[tilespmem:$0x18940] =	vst v0  }
0x16: {  	[tilespmem:$0x18950] =	vst v0  }
0x17: {  	[tilespmem:$0x18960] =	vst v0  }
0x18: {  	[tilespmem:$0x18970] =	vst v0  }
0x19: {  	[tilespmem:$0x18980] =	vst v0  }
0x1a: {  	[tilespmem:$0x18990] =	vst v0  }
0x1b: {  	[tilespmem:$0x189A0] =	vst v0  }
0x1c: {  	[tilespmem:$0x189B0] =	vst v0  }
0x1d: {  	[tilespmem:$0x189C0] =	vst v0  }
0x1e: {  	[tilespmem:$0x189D0] =	vst v0  }
0x1f: {  	[tilespmem:$0x189E0] =	vst v0  }
0x20: {  	[tilespmem:$0x189F0] =	vst v0  }
0x21: {  	[tilespmem:$0x18A00] =	vst v0  }
0x22: {  	[tilespmem:$0x18A10] =	vst v0  }
0x23: {  	[tilespmem:$0x18A20] =	vst v0  }
0x24: {  	[tilespmem:$0x18A30] =	vst v0  }
0x25: {  	[tilespmem:$0x18A40] =	vst v0  }
0x26: {  	[tilespmem:$0x18A50] =	vst v0  }
0x27: {  	[tilespmem:$0x18A60] =	vst v0  }
0x28: {  	[tilespmem:$0x18A70] =	vst v0  }
0x29: {  	[tilespmem:$0x18A80] =	vst v0  }
0x2a: {  	[tilespmem:$0x18A90] =	vst v0  }
0x2b: {  	[tilespmem:$0x18AA0] =	vst v0  }
0x2c: {  	[tilespmem:$0x18AB0] =	vst v0  }
0x2d: {  	[tilespmem:$0x18AC0] =	vst v0  }
0x2e: {  	[tilespmem:$0x18AD0] =	vst v0  }
0x2f: {  	[tilespmem:$0x18AE0] =	vst v0  }
0x30: {  	[tilespmem:$0x18AF0] =	vst v0  }
0x31: {  	[tilespmem:$0x18B00] =	vst v0  }
0x32: {  	[tilespmem:$0x18B10] =	vst v0  }
0x33: {  	[tilespmem:$0x18B20] =	vst v0  }
0x34: {  	[tilespmem:$0x18B30] =	vst v0  }
0x35: {  	[tilespmem:$0x18B40] =	vst v0  }
0x36: {  	[tilespmem:$0x18B50] =	vst v0  }
0x37: {  	[tilespmem:$0x18B60] =	vst v0  }
0x38: {  	[tilespmem:$0x18B70] =	vst v0  }
0x39: {  	[tilespmem:$0x18B80] =	vst v0  }
0x3a: {  	s30 =	simm.s32 $0x0;
	[tilespmem:$0x18B90] =	vst v0  }
.LBB2_2:
0x3b: {  	s0 =	smul.u32 $0x50, s30;
	_ =	sdelay $0x1  }
0x3c: {  	s0 =	sadd.s32 s11, s0  }
0x3d: {  	s31 =	sshrl.u32 s0, $0x3  }
0x3e: {  	s8 =	simm.s32 $0x0;
	s6 =	sadd.s32 s2, s31  }
0x3f: {  	[tilespmem:s12], [sflag:$0x3] =	stream.linear.gather [hbm4b:s6+s8], $0x50, $0x38;
	[tilespmem:$0x18BA0] =	vst v63  }
0x40: {  	s6 =	sadd.s32 s3, s31  }
0x41: {  	[tilespmem:s13], [sflag:$0x4] =	stream.linear.gather [hbm4b:s6+s8], $0x50, $0x38;
	[tilespmem:$0x18BA0] =	vst v63  }
0x42: {  	_ =	swait.ge [sflag:s16], $0x50  }
0x43: {  	[sflag:s16] =	ssyncset.done $0x0  }
0x44: {  	[sflag:s16] =	ssyncadd.s32 $0xFFFFFFB0  }
0x45: {  	_ =	swait.ge [sflag:s17], $0x50  }
0x46: {  	[sflag:s17] =	ssyncset.done $0x0  }
0x47: {  	[sflag:s17] =	ssyncadd.s32 $0xFFFFFFB0  }
0x48: {  	[tilespmem:s19], [sflag:$0x1] =	stream.indirect.gather [hbm4b:s4+s18], $0x80, s12, s18, $0xb8;
	[tilespmem:$0x18BA0] =	vst v63  }
0x49: {  	_ = 	snop  }
0x4a: {  	[tilespmem:s20], [sflag:$0x2] =	stream.indirect.gather [hbm4b:s5+s18], $0x80, s13, s18, $0xb8;
	[tilespmem:$0x18BA0] =	vst v63  }
.LBB2_3:
0x4b: {  	v10 =	vmov s8  }
0x4c: {  	v10 =	vshrl.u32 v10, $0x3  }
0x4d: {  	v10 =	vshll.u32 v10, $0x3  }
0x4e: {  	v10 =	vbroadcast v10, $0x0;
	_ =	sdelay $0x5  }
0x4f: {  	v11 =	vld.idx.msk [tilespmem:v10+s12+$0x0], $0xffff  }
0x50: {  	v12 =	vld.idx.msk [tilespmem:v10+s13+$0x0], $0xffff;
	_ =	sdelay $0x3  }
0x51: {  	v11 =	vshll.u32 v11, $0x3  }
0x52: {  	v12 =	vshll.u32 v12, $0x3;
	v11 =	vor.u32 v1, v11  }
0x53: {  	v12 =	vor.u32 v1, v12;
	_ =	sdelay $0x3  }
0x54: {  	v11 =	vld.idx.msk [tilespmem:v11+s1+$0x0], $0xffff  }
0x55: {  	v12 =	vld.idx.msk [tilespmem:v12+s1+$0x0], $0xffff;
	_ =	sdelay $0x1  }
0x56: {  	v13 =	vadd.s32 v2, v10  }
0x57: {  	v14 =	vor.u32 $0x1, v10;
	_ =	sdelay $0x1  }
0x58: {  	v11 =	vsub.f32 v11, v12;
	_ =	sdelay $0x1  }
0x59: {  	[tilespmem:v13+s21+$0x0] =	vst.idx.msk $0xf, v11  }
0x5a: {  	v11 =	vld.idx.msk [tilespmem:v14+s12+$0x0], $0xffff  }
0x5b: {  	v45 =	vld.idx.msk [tilespmem:v14+s13+$0x0], $0xffff;
	_ =	sdelay $0x3  }
0x5c: {  	v11 =	vshll.u32 v11, $0x3  }
0x5d: {  	v12 =	vshll.u32 v45, $0x3;
	v11 =	vor.u32 v1, v11  }
0x5e: {  	v12 =	vor.u32 v1, v12;
	_ =	sdelay $0x3  }
0x5f: {  	v11 =	vld.idx.msk [tilespmem:v11+s1+$0x0], $0xffff  }
0x60: {  	v12 =	vld.idx.msk [tilespmem:v12+s1+$0x0], $0xffff;
	_ =	sdelay $0x1  }
0x61: {  	v46 =	vadd.s32 v3, v10  }
0x62: {  	v47 =	vor.u32 $0x2, v10;
	_ =	sdelay $0x1  }
0x63: {  	v11 =	vsub.f32 v11, v12;
	_ =	sdelay $0x1  }
0x64: {  	[tilespmem:v46+s21+$0x0] =	vst.idx.msk $0xf, v11  }
0x65: {  	v11 =	vld.idx.msk [tilespmem:v47+s12+$0x0], $0xffff  }
0x66: {  	v48 =	vld.idx.msk [tilespmem:v47+s13+$0x0], $0xffff;
	_ =	sdelay $0x3  }
0x67: {  	v11 =	vshll.u32 v11, $0x3  }
0x68: {  	v12 =	vshll.u32 v48, $0x3;
	v11 =	vor.u32 v1, v11  }
0x69: {  	v12 =	vor.u32 v1, v12;
	_ =	sdelay $0x3  }
0x6a: {  	v11 =	vld.idx.msk [tilespmem:v11+s1+$0x0], $0xffff  }
0x6b: {  	v12 =	vld.idx.msk [tilespmem:v12+s1+$0x0], $0xffff;
	_ =	sdelay $0x1  }
0x6c: {  	v49 =	vadd.s32 v4, v10  }
0x6d: {  	v50 =	vor.u32 $0x3, v10;
	_ =	sdelay $0x1  }
0x6e: {  	v11 =	vsub.f32 v11, v12;
	_ =	sdelay $0x1  }
0x6f: {  	[tilespmem:v49+s21+$0x0] =	vst.idx.msk $0xf, v11  }
0x70: {  	v11 =	vld.idx.msk [tilespmem:v50+s12+$0x0], $0xffff  }
0x71: {  	v51 =	vld.idx.msk [tilespmem:v50+s13+$0x0], $0xffff;
	_ =	sdelay $0x3  }
0x72: {  	v11 =	vshll.u32 v11, $0x3  }
0x73: {  	v12 =	vshll.u32 v51, $0x3;
	v11 =	vor.u32 v1, v11  }
0x74: {  	v12 =	vor.u32 v1, v12;
	_ =	sdelay $0x3  }
0x75: {  	v11 =	vld.idx.msk [tilespmem:v11+s1+$0x0], $0xffff  }
0x76: {  	v12 =	vld.idx.msk [tilespmem:v12+s1+$0x0], $0xffff;
	_ =	sdelay $0x1  }
0x77: {  	v52 =	vadd.s32 v5, v10  }
0x78: {  	v53 =	vor.u32 $0x4, v10;
	_ =	sdelay $0x1  }
0x79: {  	v11 =	vsub.f32 v11, v12;
	_ =	sdelay $0x1  }
0x7a: {  	[tilespmem:v52+s21+$0x0] =	vst.idx.msk $0xf, v11  }
0x7b: {  	v11 =	vld.idx.msk [tilespmem:v53+s12+$0x0], $0xffff  }
0x7c: {  	v54 =	vld.idx.msk [tilespmem:v53+s13+$0x0], $0xffff;
	_ =	sdelay $0x3  }
0x7d: {  	v11 =	vshll.u32 v11, $0x3  }
0x7e: {  	v12 =	vshll.u32 v54, $0x3;
	v11 =	vor.u32 v1, v11  }
0x7f: {  	v12 =	vor.u32 v1, v12;
	_ =	sdelay $0x3  }
0x80: {  	v11 =	vld.idx.msk [tilespmem:v11+s1+$0x0], $0xffff  }
0x81: {  	v12 =	vld.idx.msk [tilespmem:v12+s1+$0x0], $0xffff;
	_ =	sdelay $0x1  }
0x82: {  	v55 =	vadd.s32 v6, v10  }
0x83: {  	v56 =	vor.u32 $0x5, v10;
	_ =	sdelay $0x1  }
0x84: {  	v11 =	vsub.f32 v11, v12;
	_ =	sdelay $0x1  }
0x85: {  	[tilespmem:v55+s21+$0x0] =	vst.idx.msk $0xf, v11  }
0x86: {  	v11 =	vld.idx.msk [tilespmem:v56+s12+$0x0], $0xffff  }
0x87: {  	v57 =	vld.idx.msk [tilespmem:v56+s13+$0x0], $0xffff;
	_ =	sdelay $0x3  }
0x88: {  	v11 =	vshll.u32 v11, $0x3  }
0x89: {  	v12 =	vshll.u32 v57, $0x3;
	v11 =	vor.u32 v1, v11  }
0x8a: {  	v12 =	vor.u32 v1, v12;
	_ =	sdelay $0x3  }
0x8b: {  	v11 =	vld.idx.msk [tilespmem:v11+s1+$0x0], $0xffff  }
0x8c: {  	v12 =	vld.idx.msk [tilespmem:v12+s1+$0x0], $0xffff;
	_ =	sdelay $0x1  }
0x8d: {  	v58 =	vadd.s32 v7, v10  }
0x8e: {  	v59 =	vor.u32 $0x6, v10;
	_ =	sdelay $0x1  }
0x8f: {  	v11 =	vsub.f32 v11, v12;
	_ =	sdelay $0x1  }
0x90: {  	[tilespmem:v58+s21+$0x0] =	vst.idx.msk $0xf, v11  }
0x91: {  	v11 =	vld.idx.msk [tilespmem:v59+s12+$0x0], $0xffff  }
0x92: {  	v60 =	vld.idx.msk [tilespmem:v59+s13+$0x0], $0xffff;
	_ =	sdelay $0x3  }
0x93: {  	v11 =	vshll.u32 v11, $0x3  }
0x94: {  	v12 =	vshll.u32 v60, $0x3;
	v11 =	vor.u32 v1, v11  }
0x95: {  	v12 =	vor.u32 v1, v12;
	_ =	sdelay $0x3  }
0x96: {  	v11 =	vld.idx.msk [tilespmem:v11+s1+$0x0], $0xffff  }
0x97: {  	v12 =	vld.idx.msk [tilespmem:v12+s1+$0x0], $0xffff;
	_ =	sdelay $0x1  }
0x98: {  	v61 =	vadd.s32 v8, v10  }
0x99: {  	v62 =	vor.u32 $0x7, v10;
	_ =	sdelay $0x1  }
0x9a: {  	v11 =	vsub.f32 v11, v12;
	_ =	sdelay $0x1  }
0x9b: {  	[tilespmem:v61+s21+$0x0] =	vst.idx.msk $0xf, v11  }
0x9c: {  	v11 =	vld.idx.msk [tilespmem:v62+s12+$0x0], $0xffff  }
0x9d: {  	v63 =	vld.idx.msk [tilespmem:v62+s13+$0x0], $0xffff;
	_ =	sdelay $0x3  }
0x9e: {  	v11 =	vshll.u32 v11, $0x3  }
0x9f: {  	v12 =	vshll.u32 v63, $0x3;
	v11 =	vor.u32 v1, v11  }
0xa0: {  	v12 =	vor.u32 v1, v12;
	_ =	sdelay $0x3  }
0xa1: {  	v11 =	vld.idx.msk [tilespmem:v11+s1+$0x0], $0xffff  }
0xa2: {  	v12 =	vld.idx.msk [tilespmem:v12+s1+$0x0], $0xffff;
	_ =	sdelay $0x1  }
0xa3: {  	p0 =	sne.s32 s8, $0x48;
	v10 =	vadd.s32 v9, v10  }
.Ltmp0:
0xa4: {  	_ = 	snop;
	(pc) =	sbr.rel @p0 .LBB2_3-.Ltmp0, $3  }
0xa5: {  	_ = 	snop  }
0xa6: {  	v11 =	vsub.f32 v11, v12;
	_ =	sdelay $0x1  }
0xa7: {  	s8 =	sadd.s32 $0x8, s8;
	[tilespmem:v10+s21+$0x0] =	vst.idx.msk $0xf, v11  }
0xa8: {  	_ =	swait.ge [sflag:s22], $0x2800  }
0xa9: {  	[sflag:s22] =	ssyncset.done $0x0  }
0xaa: {  	[sflag:s22] =	ssyncadd.s32 $0xFFFFD800  }
0xab: {  	_ =	swait.ge [sflag:s23], $0x2800  }
0xac: {  	s0 =	sshll.u32 s0, $0x4;
	[sflag:s23] =	ssyncset.done $0x0  }
0xad: {  	s6 =	sadd.s32 s7, s0;
	[sflag:s23] =	ssyncadd.s32 $0xFFFFD800  }
0xae: {  	[hbm4b:s6+s1] =	stream.linear.scatter [tilespmem:s19], [sflag:$0x5], $0x2800, $0x38;
	[tilespmem:$0x18BA0] =	vst v63  }
0xaf: {  	s0 =	sadd.s32 s9, s0  }
0xb0: {  	[hbm4b:s0+s1] =	stream.linear.scatter [tilespmem:s20], [sflag:$0x6], $0x2800, $0x38;
	[tilespmem:$0x18BA0] =	vst v63  }
0xb1: {  	s31 =	sadd.s32 s10, s31  }
0xb2: {  	[hbm4b:s31+s18] =	stream.strided.scatter [tilespmem:s21], [sflag:$0x7], $0x280, s24, s18, $0x38;
	[tilespmem:$0x18BA0] =	vst v63  }
0xb3: {  	_ =	swait.ge [sflag:s25], $0x2800  }
0xb4: {  	[sflag:s25] =	ssyncset.done $0x0  }
0xb5: {  	s30 =	sadd.s32 $0x1, s30;
	[sflag:s25] =	ssyncadd.s32 $0xFFFFD800  }
0xb6: {  	p0 =	sne.s32 s30, $0x7D;
	_ =	swait.ge [sflag:s26], $0x2800  }
.Ltmp1:
0xb7: {  	[sflag:s26] =	ssyncset.done $0x0;
	(pc) =	sbr.rel @p0 .LBB2_2-.Ltmp1, $4  }
0xb8: {  	[sflag:s26] =	ssyncadd.s32 $0xFFFFD800  }
0xb9: {  	_ =	swait.ge [sflag:s28], $0x280  }
0xba: {  	[sflag:s28] =	ssyncset.done $0x0  }
0xbb: {  	[sflag:s28] =	ssyncadd.s32 $0xFFFFFD80  }
0xbc: {  	s29 =	sadd.s32 $0x1, s29  }
0xbd: {  	p0 =	sne.s32 s29, s14  }
.Ltmp2:
0xbe: {  	_ = 	snop;
	(pc) =	sbr.rel @p0 .LBB2_1-.Ltmp2, $1  }
0xbf: {  	_ =	sdelay $0x3  }
0xc0: {  	_ =	sfence.sel $0x180000  }
0xc1: {  	[bflag:$0x0] =	sbarrier.arrive $0xFFFF  }
0xc2: {  	_ =	strace $0x90000047  }
0xc3: {  	s0 =	stileid.u32;
	[bflag:$0x2] =	sbarrier.arrive $0xFFFF  }
0xc4: {  	p0 =	sne.s32 s0, $0x0;
	s0 =	rddreg [dreg:$0x1]  }
0xc5: {  	s0 =	sadd.s32 @!p0 $0x100000, s0  }
0xc6: {  	[sflag:s0] =	ssyncadd.tile.s32 @!p0 $0x1;
	_ =	shalt  }
.Lfunc_end2:
_tile_overlayer_lowered:
.L_overlay_start_2:
0xc7: {  	(tag) =	ssettag $0x2  }
0xc8: {  	s0 =	rddreg [dreg:$0x0];
	s2 =	stileid.u32  }
0xc9: {  	s1 =	rddreg [dreg:$0x1];
	p0 =	sne.s32 s2, $0x0  }
0xca: {  	s3 =	rddreg [dreg:$0x2];
	[bflag:$0x3] =	sbarrier.arrive $0xFFFF;
	s2 =	simm.s32 @!p0 $0x1C08  }
0xcb: {  	[timem:s3], [sflag:s2] =	dma.local @!p0 [hbm:s0], s1  }
0xcc: {  	s0 =	simm.s32 @!p0 $0x8  }
0xcd: {  	_ =	swait.ge @!p0 [sflag:s0], s1  }
0xce: {  	s1 =	ssub.s32 @!p0 $0x0, s1;
	[sflag:s0] =	ssyncset.done @!p0 $0x0  }
0xcf: {  	[sflag:s0] =	ssyncadd.s32 @!p0 s1  }
0xd0: {  	[bflag:$0x3] =	sbarrier.arrive $0xFFFF  }
0xd1: {  	_ =	shalt  }

</sc_bundles>
